<compile_context>
chip_gen: v7x
topology: tpu7x:2x2x1
jax: 0.10.2.dev20260603
libtpu: 0.0.44.dev20260713+nightly
codegen_flags: <defaults>
</compile_context>

<pallas_src>
import functools

import jax
import jax.numpy as jnp
from jax import lax
from jax.experimental import pallas as pl
from jax.experimental.pallas import tpu as pltpu
from jax.experimental.pallas import tpu_sc as plsc

N = 10000
E = 320000
F_IN = 128
HID = 128
CLS = 40

D1 = 144
D2 = 48

NC = 2
NS = 16
NW = NC * NS
E_PER_W = E // NW
CHUNK = 80
NCHUNK = E_PER_W // CHUNK
N_PAD = 10240
ROWS_PER_TILE = N_PAD // NS

ROW_BLK = 1000
GRID = N // ROW_BLK


def _make_seg_sum(D):
  mesh = plsc.VectorSubcoreMesh(core_axis_name="c", subcore_axis_name="s")

  @functools.partial(
      pl.kernel,
      mesh=mesh,
      compiler_params=pltpu.CompilerParams(use_tc_tiling_on_sc=False),
      out_type=jax.ShapeDtypeStruct((NC, N_PAD, D), jnp.float32),
      scratch_types=[
          pltpu.VMEM((CHUNK,), jnp.int32),
          pltpu.VMEM((CHUNK,), jnp.int32),
          pltpu.VMEM((CHUNK, D), jnp.float32),
          pltpu.VMEM_SHARED((N_PAD, D), jnp.float32),
          pltpu.SemaphoreType.DMA,
      ],
  )
  def seg_sum(p_hbm, src_hbm, dst_hbm, zeros_hbm, out_hbm,
              src_v, dst_v, rows_v, acc_sh, sem):
    c = lax.axis_index("c")
    s = lax.axis_index("s")
    wid = c * NS + s
    row0 = pl.multiple_of(s * ROWS_PER_TILE, 8)

    pltpu.sync_copy(zeros_hbm.at[pl.ds(row0, ROWS_PER_TILE)],
                    acc_sh.at[pl.ds(row0, ROWS_PER_TILE)])
    plsc.subcore_barrier()

    base = wid * E_PER_W

    def body(i, carry):
      off = pl.multiple_of(base + i * CHUNK, 8)
      pltpu.sync_copy(src_hbm.at[pl.ds(off, CHUNK)], src_v)
      pltpu.sync_copy(dst_hbm.at[pl.ds(off, CHUNK)], dst_v)
      pltpu.async_copy(p_hbm.at[src_v], rows_v, sem).wait()
      pltpu.sync_copy(rows_v, acc_sh.at[dst_v], add=True)
      return carry

    lax.fori_loop(0, NCHUNK, body, 0)
    plsc.subcore_barrier()

    pltpu.sync_copy(acc_sh.at[pl.ds(row0, ROWS_PER_TILE)],
                    out_hbm.at[c, pl.ds(row0, ROWS_PER_TILE)])

  return seg_sum


_seg_sum_1 = _make_seg_sum(D1)
_seg_sum_2 = _make_seg_sum(D2)


def _l1_body(x_ref, w1le_ref, w1rt_ref, b1_ref, p1e_ref, pre1_ref):
  xb = x_ref[...]
  deg_col = (lax.broadcasted_iota(jnp.int32, (ROW_BLK, D1), 1) == F_IN
             ).astype(jnp.float32)
  p1e_ref[...] = jnp.dot(xb, w1le_ref[...],
                         preferred_element_type=jnp.float32) + deg_col
  pre1_ref[...] = jnp.dot(xb, w1rt_ref[...],
                          preferred_element_type=jnp.float32) + b1_ref[...]


def _l2_body(a0_ref, a1_ref, pre1_ref, w2le_ref, w2rt_ref, b2_ref,
             p2e_ref, pre2_ref):
  acc = a0_ref[...] + a1_ref[...]
  agg = acc[:, :HID]
  deg = acc[:, HID:HID + 1]
  h = jnp.maximum(agg / jnp.maximum(deg, 1.0) + pre1_ref[...], 0.0)
  deg_col = (lax.broadcasted_iota(jnp.int32, (ROW_BLK, D2), 1) == CLS
             ).astype(jnp.float32)
  p2e_ref[...] = jnp.dot(h, w2le_ref[...],
                         preferred_element_type=jnp.float32) + deg_col
  pre2_ref[...] = jnp.dot(h, w2rt_ref[...],
                          preferred_element_type=jnp.float32) + b2_ref[...]


def _out_body(a0_ref, a1_ref, pre2_ref, out_ref):
  acc = a0_ref[...] + a1_ref[...]
  agg = acc[:, :CLS]
  deg = acc[:, CLS:CLS + 1]
  o = agg / jnp.maximum(deg, 1.0) + pre2_ref[...]
  m = jnp.max(o, axis=1, keepdims=True)
  lse = jnp.log(jnp.sum(jnp.exp(o - m), axis=1, keepdims=True))
  out_ref[...] = o - m - lse


def _row_spec(d):
  return pl.BlockSpec((ROW_BLK, d), lambda i: (i, 0))


def _full_spec(r, d):
  return pl.BlockSpec((r, d), lambda i: (0, 0))


_l1_call = pl.pallas_call(
    _l1_body,
    grid=(GRID,),
    in_specs=[_row_spec(F_IN), _full_spec(F_IN, D1), _full_spec(F_IN, HID),
              _full_spec(1, HID)],
    out_specs=[_row_spec(D1), _row_spec(HID)],
    out_shape=[jax.ShapeDtypeStruct((N, D1), jnp.float32),
               jax.ShapeDtypeStruct((N, HID), jnp.float32)],
)

_l2_call = pl.pallas_call(
    _l2_body,
    grid=(GRID,),
    in_specs=[_row_spec(D1), _row_spec(D1), _row_spec(HID),
              _full_spec(HID, D2), _full_spec(HID, CLS), _full_spec(1, CLS)],
    out_specs=[_row_spec(D2), _row_spec(CLS)],
    out_shape=[jax.ShapeDtypeStruct((N, D2), jnp.float32),
               jax.ShapeDtypeStruct((N, CLS), jnp.float32)],
)

_out_call = pl.pallas_call(
    _out_body,
    grid=(GRID,),
    in_specs=[_row_spec(D2), _row_spec(D2), _row_spec(CLS)],
    out_specs=_row_spec(CLS),
    out_shape=jax.ShapeDtypeStruct((N, CLS), jnp.float32),
)


def kernel(x, edge_index, W1_l, b1, W1_r, W2_l, b2, W2_r):
  src = edge_index[0]
  dst = edge_index[1]

  w1le = jnp.pad(W1_l.T, ((0, 0), (0, D1 - HID)))
  w1rt = W1_r.T
  w2le = jnp.pad(W2_l.T, ((0, 0), (0, D2 - CLS)))
  w2rt = W2_r.T

  p1e, pre1 = _l1_call(x, w1le, w1rt, b1.reshape(1, HID))
  agg1 = _seg_sum_1(p1e, src, dst, jnp.zeros((N_PAD, D1), jnp.float32))
  p2e, pre2 = _l2_call(agg1[0], agg1[1], pre1, w2le, w2rt,
                       b2.reshape(1, CLS))
  agg2 = _seg_sum_2(p2e, src, dst, jnp.zeros((N_PAD, D2), jnp.float32))
  return _out_call(agg2[0], agg2[1], pre2)

# --- scband reference (transcript-rebuilt; emitter-appended) ---
"""Pipeline reference for scband-graph-sage-net-38156489457766 (READ-ONLY COPY).

The authoritative reference and input builder live on the scoring server;
editing this copy changes nothing except your own understanding.
"""

import jax, jax.numpy as jnp
import numpy as np

N_NODES = 10000
N_EDGES = 320000
F_IN = 128
HID = 128
CLS = 40


def setup_inputs(seed: int = 0) -> dict:
    key = jax.random.key(seed)
    ks = jax.random.split(key, 9)
    x = jax.random.normal(ks[0], (N_NODES, F_IN), dtype=jnp.float32)
    edge_index = jax.random.randint(ks[1], (2, N_EDGES), 0, N_NODES, dtype=jnp.int32)
    s1 = 1.0 / np.sqrt(F_IN)
    s2 = 1.0 / np.sqrt(HID)
    W1_l = jax.random.uniform(ks[2], (HID, F_IN), jnp.float32, -s1, s1)
    b1 = jax.random.uniform(ks[3], (HID,), jnp.float32, -s1, s1)
    W1_r = jax.random.uniform(ks[4], (HID, F_IN), jnp.float32, -s1, s1)
    W2_l = jax.random.uniform(ks[5], (CLS, HID), jnp.float32, -s2, s2)
    b2 = jax.random.uniform(ks[6], (CLS,), jnp.float32, -s2, s2)
    W2_r = jax.random.uniform(ks[7], (CLS, HID), jnp.float32, -s2, s2)
    return {"x": x, "edge_index": edge_index, "W1_l": W1_l, "b1": b1, "W1_r": W1_r,
            "W2_l": W2_l, "b2": b2, "W2_r": W2_r}


def _sage_conv(x, edge_index, W_l, b_l, W_r):
    # PyG SAGEConv (aggr='mean', root_weight=True):
    #   out_i = W_l @ mean_{j in N(i)} x_j + b_l + W_r @ x_i
    src = edge_index[0]
    dst = edge_index[1]
    msg = jnp.take(x, src, axis=0)                                  # gather  [E, d]
    agg = jax.ops.segment_sum(msg, dst, num_segments=N_NODES)       # scatter-add [N, d]
    deg = jax.ops.segment_sum(jnp.ones((msg.shape[0], 1), msg.dtype), dst,
                              num_segments=N_NODES)
    mean = agg / jnp.clip(deg, 1.0, None)
    return mean @ W_l.T + b_l + x @ W_r.T


def reference(x, edge_index, W1_l, b1, W1_r, W2_l, b2, W2_r):
    h = _sage_conv(x, edge_index, W1_l, b1, W1_r)
    h = jax.nn.relu(h)
    # F.dropout with training=False is identity (module run in eval mode)
    out = _sage_conv(h, edge_index, W2_l, b2, W2_r)
    return jax.nn.log_softmax(out, axis=1)

if __name__ == "__main__":
    import jax
    _d = setup_inputs()
    print(jax.jit(kernel)(*tuple(_d.values())))

</pallas_src>

<mosaic_0001>
#map = affine_map<(d0, d1) -> (0, 0)>
#map1 = affine_map<(d0, d1) -> (0)>
#map2 = affine_map<(d0, d1) -> (0, 0, 0)>
module attributes {stable_mosaic.version = 14 : i64} {
  func.func @seg_sum(%arg0: i32, %arg1: i32, %arg2: memref<10000x48xf32, #tpu.memory_space<hbm>>, %arg3: memref<320000xi32, #tpu.memory_space<hbm>>, %arg4: memref<320000xi32, #tpu.memory_space<hbm>>, %arg5: memref<10240x48xf32, #tpu.memory_space<hbm>>, %arg6: memref<2x10240x48xf32, #tpu.memory_space<hbm>>, %arg7: memref<80xi32, #tpu.memory_space<vmem>>, %arg8: memref<80xi32, #tpu.memory_space<vmem>>, %arg9: memref<80x48xf32, #tpu.memory_space<vmem>>, %arg10: memref<10240x48xf32, #tpu.memory_space<vmem_shared>>, %arg11: memref<!tpu.dma_semaphore, #tpu.memory_space<semaphore_mem>>) attributes {dimension_semantics = [#tpu.dimension_semantics<core_parallel>, #tpu.dimension_semantics<subcore_parallel>], iteration_bounds = array<i64: 2, 16>, scalar_prefetch = 0 : i64, scratch_operands = 5 : i64, tpu.core_type = #tpu.core_type<sc_vector_subcore>, window_params = [{transform_indices = #map}, {transform_indices = #map1}, {transform_indices = #map1}, {transform_indices = #map}, {transform_indices = #map2}]} {
    %mul3A = arith.constant 16 : i32
    %mul3A_0 = arith.muli %arg0, %mul3A : i32
    %add3A = arith.addi %mul3A_0, %arg1 : i32
    %mul3A_1 = arith.constant 640 : i32
    %mul3A_2 = arith.muli %arg1, %mul3A_1 : i32
    %multiple_of3A = tpu.assume_multiple %mul3A_2, 8 : i32
    "tpu.region"() ({
      %run_scoped3A = tpu.sem_alloc : memref<!tpu.dma_semaphore, #tpu.memory_space<semaphore_mem>>
      %dma_start3A = arith.constant 0 : i32
      %dma_start3A_11 = tpu.memref_slice %arg10[%multiple_of3A, %dma_start3A] : memref<10240x48xf32, #tpu.memory_space<vmem_shared>> -> memref<640x48xf32, #tpu.memory_space<vmem_shared>>
      %dma_start3A_12 = arith.constant 0 : i32
      %dma_start3A_13 = tpu.memref_slice %arg5[%multiple_of3A, %dma_start3A_12] : memref<10240x48xf32, #tpu.memory_space<hbm>> -> memref<640x48xf32, #tpu.memory_space<hbm>>
      tpu.enqueue_dma source(%dma_start3A_13 : memref<640x48xf32, #tpu.memory_space<hbm>>) target(%dma_start3A_11 : memref<640x48xf32, #tpu.memory_space<vmem_shared>>) target_semaphore(%run_scoped3A : memref<!tpu.dma_semaphore, #tpu.memory_space<semaphore_mem>>)
      %dma_wait3A = arith.constant 0 : i32
      %dma_wait3A_14 = tpu.memref_slice %arg10[%multiple_of3A, %dma_wait3A] : memref<10240x48xf32, #tpu.memory_space<vmem_shared>> -> memref<640x48xf32, #tpu.memory_space<vmem_shared>>
      %dma_wait3A_15 = arith.constant 0 : i32
      %dma_wait3A_16 = tpu.memref_slice %arg5[%multiple_of3A, %dma_wait3A_15] : memref<10240x48xf32, #tpu.memory_space<hbm>> -> memref<640x48xf32, #tpu.memory_space<hbm>>
      tpu.wait_dma2 semaphore(%run_scoped3A : memref<!tpu.dma_semaphore, #tpu.memory_space<semaphore_mem>>) src(%dma_wait3A_16 : memref<640x48xf32, #tpu.memory_space<hbm>>) dst(%dma_wait3A_14 : memref<640x48xf32, #tpu.memory_space<vmem_shared>>)
      tpu.yield
    }) : () -> ()
    %barrier3A = arith.constant 0 : index
    tpu.barrier barrier_id(%barrier3A)
    %mul3A_3 = arith.constant 10000 : i32
    %mul3A_4 = arith.muli %add3A, %mul3A_3 : i32
    %scan3A = arith.constant 0 : i32
    %scan3A_5 = arith.constant 0 : i32
    %scan3A_6 = arith.constant 125 : i32
    %scan3A_7 = arith.addi %scan3A_5, %scan3A_6 : i32
    %scan3A_8 = arith.constant 1 : i32
    scf.for %scan3A_11 = %scan3A_5 to %scan3A_7 step %scan3A_8  : i32 {
      %mul3A_12 = arith.constant 80 : i32
      %mul3A_13 = arith.muli %scan3A_11, %mul3A_12 : i32
      %add3A_14 = arith.addi %mul3A_4, %mul3A_13 : i32
      %multiple_of3A_15 = tpu.assume_multiple %add3A_14, 8 : i32
      "tpu.region"() ({
        %run_scoped3A = tpu.sem_alloc : memref<!tpu.dma_semaphore, #tpu.memory_space<semaphore_mem>>
        %dma_start3A_20 = tpu.memref_slice %arg3[%multiple_of3A_15] : memref<320000xi32, #tpu.memory_space<hbm>> -> memref<80xi32, #tpu.memory_space<hbm>>
        %dma_start3A_21 = tpu.memref_slice %arg3[%multiple_of3A_15] : memref<320000xi32, #tpu.memory_space<hbm>> -> memref<80xi32, #tpu.memory_space<hbm>>
        tpu.enqueue_dma source(%dma_start3A_21 : memref<80xi32, #tpu.memory_space<hbm>>) target(%arg7 : memref<80xi32, #tpu.memory_space<vmem>>) target_semaphore(%run_scoped3A : memref<!tpu.dma_semaphore, #tpu.memory_space<semaphore_mem>>)
        %dma_wait3A_22 = tpu.memref_slice %arg3[%multiple_of3A_15] : memref<320000xi32, #tpu.memory_space<hbm>> -> memref<80xi32, #tpu.memory_space<hbm>>
        %dma_wait3A_23 = tpu.memref_slice %arg3[%multiple_of3A_15] : memref<320000xi32, #tpu.memory_space<hbm>> -> memref<80xi32, #tpu.memory_space<hbm>>
        tpu.wait_dma2 semaphore(%run_scoped3A : memref<!tpu.dma_semaphore, #tpu.memory_space<semaphore_mem>>) src(%dma_wait3A_23 : memref<80xi32, #tpu.memory_space<hbm>>) dst(%arg7 : memref<80xi32, #tpu.memory_space<vmem>>)
        tpu.yield
      }) : () -> ()
      "tpu.region"() ({
        %run_scoped3A = tpu.sem_alloc : memref<!tpu.dma_semaphore, #tpu.memory_space<semaphore_mem>>
        %dma_start3A_20 = tpu.memref_slice %arg4[%multiple_of3A_15] : memref<320000xi32, #tpu.memory_space<hbm>> -> memref<80xi32, #tpu.memory_space<hbm>>
        %dma_start3A_21 = tpu.memref_slice %arg4[%multiple_of3A_15] : memref<320000xi32, #tpu.memory_space<hbm>> -> memref<80xi32, #tpu.memory_space<hbm>>
        tpu.enqueue_dma source(%dma_start3A_21 : memref<80xi32, #tpu.memory_space<hbm>>) target(%arg8 : memref<80xi32, #tpu.memory_space<vmem>>) target_semaphore(%run_scoped3A : memref<!tpu.dma_semaphore, #tpu.memory_space<semaphore_mem>>)
        %dma_wait3A_22 = tpu.memref_slice %arg4[%multiple_of3A_15] : memref<320000xi32, #tpu.memory_space<hbm>> -> memref<80xi32, #tpu.memory_space<hbm>>
        %dma_wait3A_23 = tpu.memref_slice %arg4[%multiple_of3A_15] : memref<320000xi32, #tpu.memory_space<hbm>> -> memref<80xi32, #tpu.memory_space<hbm>>
        tpu.wait_dma2 semaphore(%run_scoped3A : memref<!tpu.dma_semaphore, #tpu.memory_space<semaphore_mem>>) src(%dma_wait3A_23 : memref<80xi32, #tpu.memory_space<hbm>>) dst(%arg8 : memref<80xi32, #tpu.memory_space<vmem>>)
        tpu.yield
      }) : () -> ()
      %dma_start3A = arith.constant 0 : i32
      %dma_start3A_16 = arith.constant 0 : i32
      %dma_start3A_17 = tpu.memref_slice %arg2[%dma_start3A, %dma_start3A_16] : memref<10000x48xf32, #tpu.memory_space<hbm>> -> memref<10000x48xf32, #tpu.memory_space<hbm>>
      tpu.enqueue_indirect_dma source(%dma_start3A_17 : memref<10000x48xf32, #tpu.memory_space<hbm>>) target(%arg9 : memref<80x48xf32, #tpu.memory_space<vmem>>) offsets(%arg7 : memref<80xi32, #tpu.memory_space<vmem>>) semaphore(%arg11 : memref<!tpu.dma_semaphore, #tpu.memory_space<semaphore_mem>>)
      %dma_wait3A = arith.constant 0 : i32
      %dma_wait3A_18 = arith.constant 0 : i32
      %dma_wait3A_19 = tpu.memref_slice %arg2[%dma_wait3A, %dma_wait3A_18] : memref<10000x48xf32, #tpu.memory_space<hbm>> -> memref<10000x48xf32, #tpu.memory_space<hbm>>
      tpu.wait_indirect_dma semaphore(%arg11 : memref<!tpu.dma_semaphore, #tpu.memory_space<semaphore_mem>>) src(%dma_wait3A_19 : memref<10000x48xf32, #tpu.memory_space<hbm>>) dst(%arg9 : memref<80x48xf32, #tpu.memory_space<vmem>>)
      "tpu.region"() ({
        %run_scoped3A = tpu.sem_alloc : memref<!tpu.dma_semaphore, #tpu.memory_space<semaphore_mem>>
        %dma_start3A_20 = arith.constant 0 : i32
        %dma_start3A_21 = arith.constant 0 : i32
        %dma_start3A_22 = tpu.memref_slice %arg10[%dma_start3A_20, %dma_start3A_21] : memref<10240x48xf32, #tpu.memory_space<vmem_shared>> -> memref<10240x48xf32, #tpu.memory_space<vmem_shared>>
        tpu.enqueue_indirect_dma source(%arg9 : memref<80x48xf32, #tpu.memory_space<vmem>>) target(%dma_start3A_22 : memref<10240x48xf32, #tpu.memory_space<vmem_shared>>) offsets(%arg8 : memref<80xi32, #tpu.memory_space<vmem>>) semaphore(%run_scoped3A : memref<!tpu.dma_semaphore, #tpu.memory_space<semaphore_mem>>) {add = true}
        %dma_wait3A_23 = arith.constant 0 : i32
        %dma_wait3A_24 = arith.constant 0 : i32
        %dma_wait3A_25 = tpu.memref_slice %arg10[%dma_wait3A_23, %dma_wait3A_24] : memref<10240x48xf32, #tpu.memory_space<vmem_shared>> -> memref<10240x48xf32, #tpu.memory_space<vmem_shared>>
        tpu.wait_indirect_dma semaphore(%run_scoped3A : memref<!tpu.dma_semaphore, #tpu.memory_space<semaphore_mem>>) src(%arg9 : memref<80x48xf32, #tpu.memory_space<vmem>>) dst(%dma_wait3A_25 : memref<10240x48xf32, #tpu.memory_space<vmem_shared>>)
        tpu.yield
      }) : () -> ()
    }
    %scan3A_9 = arith.constant 125 : i32
    %barrier3A_10 = arith.constant 0 : index
    tpu.barrier barrier_id(%barrier3A_10)
    "tpu.region"() ({
      %run_scoped3A = tpu.sem_alloc : memref<!tpu.dma_semaphore, #tpu.memory_space<semaphore_mem>>
      %dma_start3A = arith.constant 0 : i32
      %dma_start3A_11 = tpu.memref_slice %arg6[%arg0, %multiple_of3A, %dma_start3A] : memref<2x10240x48xf32, #tpu.memory_space<hbm>> -> memref<1x640x48xf32, #tpu.memory_space<hbm>>
      %dma_start3A_12 = tpu.memref_squeeze %dma_start3A_11 : memref<1x640x48xf32, #tpu.memory_space<hbm>> -> memref<640x48xf32, #tpu.memory_space<hbm>>
      %dma_start3A_13 = arith.constant 0 : i32
      %dma_start3A_14 = tpu.memref_slice %arg10[%multiple_of3A, %dma_start3A_13] : memref<10240x48xf32, #tpu.memory_space<vmem_shared>> -> memref<640x48xf32, #tpu.memory_space<vmem_shared>>
      tpu.enqueue_dma source(%dma_start3A_14 : memref<640x48xf32, #tpu.memory_space<vmem_shared>>) target(%dma_start3A_12 : memref<640x48xf32, #tpu.memory_space<hbm>>) target_semaphore(%run_scoped3A : memref<!tpu.dma_semaphore, #tpu.memory_space<semaphore_mem>>)
      %dma_wait3A = arith.constant 0 : i32
      %dma_wait3A_15 = tpu.memref_slice %arg6[%arg0, %multiple_of3A, %dma_wait3A] : memref<2x10240x48xf32, #tpu.memory_space<hbm>> -> memref<1x640x48xf32, #tpu.memory_space<hbm>>
      %dma_wait3A_16 = tpu.memref_squeeze %dma_wait3A_15 : memref<1x640x48xf32, #tpu.memory_space<hbm>> -> memref<640x48xf32, #tpu.memory_space<hbm>>
      %dma_wait3A_17 = arith.constant 0 : i32
      %dma_wait3A_18 = tpu.memref_slice %arg10[%multiple_of3A, %dma_wait3A_17] : memref<10240x48xf32, #tpu.memory_space<vmem_shared>> -> memref<640x48xf32, #tpu.memory_space<vmem_shared>>
      tpu.wait_dma2 semaphore(%run_scoped3A : memref<!tpu.dma_semaphore, #tpu.memory_space<semaphore_mem>>) src(%dma_wait3A_18 : memref<640x48xf32, #tpu.memory_space<vmem_shared>>) dst(%dma_wait3A_16 : memref<640x48xf32, #tpu.memory_space<hbm>>)
      tpu.yield
    }) : () -> ()
    return
  }
}

#map = affine_map<(d0, d1) -> (0, 0)>
#map1 = affine_map<(d0, d1) -> (0)>
#map2 = affine_map<(d0, d1) -> (0, 0, 0)>
module attributes {stable_mosaic.version = 14 : i64} {
  func.func @seg_sum(%arg0: i32, %arg1: i32, %arg2: memref<10000x144xf32, #tpu.memory_space<hbm>>, %arg3: memref<320000xi32, #tpu.memory_space<hbm>>, %arg4: memref<320000xi32, #tpu.memory_space<hbm>>, %arg5: memref<10240x144xf32, #tpu.memory_space<hbm>>, %arg6: memref<2x10240x144xf32, #tpu.memory_space<hbm>>, %arg7: memref<80xi32, #tpu.memory_space<vmem>>, %arg8: memref<80xi32, #tpu.memory_space<vmem>>, %arg9: memref<80x144xf32, #tpu.memory_space<vmem>>, %arg10: memref<10240x144xf32, #tpu.memory_space<vmem_shared>>, %arg11: memref<!tpu.dma_semaphore, #tpu.memory_space<semaphore_mem>>) attributes {dimension_semantics = [#tpu.dimension_semantics<core_parallel>, #tpu.dimension_semantics<subcore_parallel>], iteration_bounds = array<i64: 2, 16>, scalar_prefetch = 0 : i64, scratch_operands = 5 : i64, tpu.core_type = #tpu.core_type<sc_vector_subcore>, window_params = [{transform_indices = #map}, {transform_indices = #map1}, {transform_indices = #map1}, {transform_indices = #map}, {transform_indices = #map2}]} {
    %mul3A = arith.constant 16 : i32
    %mul3A_0 = arith.muli %arg0, %mul3A : i32
    %add3A = arith.addi %mul3A_0, %arg1 : i32
    %mul3A_1 = arith.constant 640 : i32
    %mul3A_2 = arith.muli %arg1, %mul3A_1 : i32
    %multiple_of3A = tpu.assume_multiple %mul3A_2, 8 : i32
    "tpu.region"() ({
      %run_scoped3A = tpu.sem_alloc : memref<!tpu.dma_semaphore, #tpu.memory_space<semaphore_mem>>
      %dma_start3A = arith.constant 0 : i32
      %dma_start3A_11 = tpu.memref_slice %arg10[%multiple_of3A, %dma_start3A] : memref<10240x144xf32, #tpu.memory_space<vmem_shared>> -> memref<640x144xf32, #tpu.memory_space<vmem_shared>>
      %dma_start3A_12 = arith.constant 0 : i32
      %dma_start3A_13 = tpu.memref_slice %arg5[%multiple_of3A, %dma_start3A_12] : memref<10240x144xf32, #tpu.memory_space<hbm>> -> memref<640x144xf32, #tpu.memory_space<hbm>>
      tpu.enqueue_dma source(%dma_start3A_13 : memref<640x144xf32, #tpu.memory_space<hbm>>) target(%dma_start3A_11 : memref<640x144xf32, #tpu.memory_space<vmem_shared>>) target_semaphore(%run_scoped3A : memref<!tpu.dma_semaphore, #tpu.memory_space<semaphore_mem>>)
      %dma_wait3A = arith.constant 0 : i32
      %dma_wait3A_14 = tpu.memref_slice %arg10[%multiple_of3A, %dma_wait3A] : memref<10240x144xf32, #tpu.memory_space<vmem_shared>> -> memref<640x144xf32, #tpu.memory_space<vmem_shared>>
      %dma_wait3A_15 = arith.constant 0 : i32
      %dma_wait3A_16 = tpu.memref_slice %arg5[%multiple_of3A, %dma_wait3A_15] : memref<10240x144xf32, #tpu.memory_space<hbm>> -> memref<640x144xf32, #tpu.memory_space<hbm>>
      tpu.wait_dma2 semaphore(%run_scoped3A : memref<!tpu.dma_semaphore, #tpu.memory_space<semaphore_mem>>) src(%dma_wait3A_16 : memref<640x144xf32, #tpu.memory_space<hbm>>) dst(%dma_wait3A_14 : memref<640x144xf32, #tpu.memory_space<vmem_shared>>)
      tpu.yield
    }) : () -> ()
    %barrier3A = arith.constant 0 : index
    tpu.barrier barrier_id(%barrier3A)
    %mul3A_3 = arith.constant 10000 : i32
    %mul3A_4 = arith.muli %add3A, %mul3A_3 : i32
    %scan3A = arith.constant 0 : i32
    %scan3A_5 = arith.constant 0 : i32
    %scan3A_6 = arith.constant 125 : i32
    %scan3A_7 = arith.addi %scan3A_5, %scan3A_6 : i32
    %scan3A_8 = arith.constant 1 : i32
    scf.for %scan3A_11 = %scan3A_5 to %scan3A_7 step %scan3A_8  : i32 {
      %mul3A_12 = arith.constant 80 : i32
      %mul3A_13 = arith.muli %scan3A_11, %mul3A_12 : i32
      %add3A_14 = arith.addi %mul3A_4, %mul3A_13 : i32
      %multiple_of3A_15 = tpu.assume_multiple %add3A_14, 8 : i32
      "tpu.region"() ({
        %run_scoped3A = tpu.sem_alloc : memref<!tpu.dma_semaphore, #tpu.memory_space<semaphore_mem>>
        %dma_start3A_20 = tpu.memref_slice %arg3[%multiple_of3A_15] : memref<320000xi32, #tpu.memory_space<hbm>> -> memref<80xi32, #tpu.memory_space<hbm>>
        %dma_start3A_21 = tpu.memref_slice %arg3[%multiple_of3A_15] : memref<320000xi32, #tpu.memory_space<hbm>> -> memref<80xi32, #tpu.memory_space<hbm>>
        tpu.enqueue_dma source(%dma_start3A_21 : memref<80xi32, #tpu.memory_space<hbm>>) target(%arg7 : memref<80xi32, #tpu.memory_space<vmem>>) target_semaphore(%run_scoped3A : memref<!tpu.dma_semaphore, #tpu.memory_space<semaphore_mem>>)
        %dma_wait3A_22 = tpu.memref_slice %arg3[%multiple_of3A_15] : memref<320000xi32, #tpu.memory_space<hbm>> -> memref<80xi32, #tpu.memory_space<hbm>>
        %dma_wait3A_23 = tpu.memref_slice %arg3[%multiple_of3A_15] : memref<320000xi32, #tpu.memory_space<hbm>> -> memref<80xi32, #tpu.memory_space<hbm>>
        tpu.wait_dma2 semaphore(%run_scoped3A : memref<!tpu.dma_semaphore, #tpu.memory_space<semaphore_mem>>) src(%dma_wait3A_23 : memref<80xi32, #tpu.memory_space<hbm>>) dst(%arg7 : memref<80xi32, #tpu.memory_space<vmem>>)
        tpu.yield
      }) : () -> ()
      "tpu.region"() ({
        %run_scoped3A = tpu.sem_alloc : memref<!tpu.dma_semaphore, #tpu.memory_space<semaphore_mem>>
        %dma_start3A_20 = tpu.memref_slice %arg4[%multiple_of3A_15] : memref<320000xi32, #tpu.memory_space<hbm>> -> memref<80xi32, #tpu.memory_space<hbm>>
        %dma_start3A_21 = tpu.memref_slice %arg4[%multiple_of3A_15] : memref<320000xi32, #tpu.memory_space<hbm>> -> memref<80xi32, #tpu.memory_space<hbm>>
        tpu.enqueue_dma source(%dma_start3A_21 : memref<80xi32, #tpu.memory_space<hbm>>) target(%arg8 : memref<80xi32, #tpu.memory_space<vmem>>) target_semaphore(%run_scoped3A : memref<!tpu.dma_semaphore, #tpu.memory_space<semaphore_mem>>)
        %dma_wait3A_22 = tpu.memref_slice %arg4[%multiple_of3A_15] : memref<320000xi32, #tpu.memory_space<hbm>> -> memref<80xi32, #tpu.memory_space<hbm>>
        %dma_wait3A_23 = tpu.memref_slice %arg4[%multiple_of3A_15] : memref<320000xi32, #tpu.memory_space<hbm>> -> memref<80xi32, #tpu.memory_space<hbm>>
        tpu.wait_dma2 semaphore(%run_scoped3A : memref<!tpu.dma_semaphore, #tpu.memory_space<semaphore_mem>>) src(%dma_wait3A_23 : memref<80xi32, #tpu.memory_space<hbm>>) dst(%arg8 : memref<80xi32, #tpu.memory_space<vmem>>)
        tpu.yield
      }) : () -> ()
      %dma_start3A = arith.constant 0 : i32
      %dma_start3A_16 = arith.constant 0 : i32
      %dma_start3A_17 = tpu.memref_slice %arg2[%dma_start3A, %dma_start3A_16] : memref<10000x144xf32, #tpu.memory_space<hbm>> -> memref<10000x144xf32, #tpu.memory_space<hbm>>
      tpu.enqueue_indirect_dma source(%dma_start3A_17 : memref<10000x144xf32, #tpu.memory_space<hbm>>) target(%arg9 : memref<80x144xf32, #tpu.memory_space<vmem>>) offsets(%arg7 : memref<80xi32, #tpu.memory_space<vmem>>) semaphore(%arg11 : memref<!tpu.dma_semaphore, #tpu.memory_space<semaphore_mem>>)
      %dma_wait3A = arith.constant 0 : i32
      %dma_wait3A_18 = arith.constant 0 : i32
      %dma_wait3A_19 = tpu.memref_slice %arg2[%dma_wait3A, %dma_wait3A_18] : memref<10000x144xf32, #tpu.memory_space<hbm>> -> memref<10000x144xf32, #tpu.memory_space<hbm>>
      tpu.wait_indirect_dma semaphore(%arg11 : memref<!tpu.dma_semaphore, #tpu.memory_space<semaphore_mem>>) src(%dma_wait3A_19 : memref<10000x144xf32, #tpu.memory_space<hbm>>) dst(%arg9 : memref<80x144xf32, #tpu.memory_space<vmem>>)
      "tpu.region"() ({
        %run_scoped3A = tpu.sem_alloc : memref<!tpu.dma_semaphore, #tpu.memory_space<semaphore_mem>>
        %dma_start3A_20 = arith.constant 0 : i32
        %dma_start3A_21 = arith.constant 0 : i32
        %dma_start3A_22 = tpu.memref_slice %arg10[%dma_start3A_20, %dma_start3A_21] : memref<10240x144xf32, #tpu.memory_space<vmem_shared>> -> memref<10240x144xf32, #tpu.memory_space<vmem_shared>>
        tpu.enqueue_indirect_dma source(%arg9 : memref<80x144xf32, #tpu.memory_space<vmem>>) target(%dma_start3A_22 : memref<10240x144xf32, #tpu.memory_space<vmem_shared>>) offsets(%arg8 : memref<80xi32, #tpu.memory_space<vmem>>) semaphore(%run_scoped3A : memref<!tpu.dma_semaphore, #tpu.memory_space<semaphore_mem>>) {add = true}
        %dma_wait3A_23 = arith.constant 0 : i32
        %dma_wait3A_24 = arith.constant 0 : i32
        %dma_wait3A_25 = tpu.memref_slice %arg10[%dma_wait3A_23, %dma_wait3A_24] : memref<10240x144xf32, #tpu.memory_space<vmem_shared>> -> memref<10240x144xf32, #tpu.memory_space<vmem_shared>>
        tpu.wait_indirect_dma semaphore(%run_scoped3A : memref<!tpu.dma_semaphore, #tpu.memory_space<semaphore_mem>>) src(%arg9 : memref<80x144xf32, #tpu.memory_space<vmem>>) dst(%dma_wait3A_25 : memref<10240x144xf32, #tpu.memory_space<vmem_shared>>)
        tpu.yield
      }) : () -> ()
    }
    %scan3A_9 = arith.constant 125 : i32
    %barrier3A_10 = arith.constant 0 : index
    tpu.barrier barrier_id(%barrier3A_10)
    "tpu.region"() ({
      %run_scoped3A = tpu.sem_alloc : memref<!tpu.dma_semaphore, #tpu.memory_space<semaphore_mem>>
      %dma_start3A = arith.constant 0 : i32
      %dma_start3A_11 = tpu.memref_slice %arg6[%arg0, %multiple_of3A, %dma_start3A] : memref<2x10240x144xf32, #tpu.memory_space<hbm>> -> memref<1x640x144xf32, #tpu.memory_space<hbm>>
      %dma_start3A_12 = tpu.memref_squeeze %dma_start3A_11 : memref<1x640x144xf32, #tpu.memory_space<hbm>> -> memref<640x144xf32, #tpu.memory_space<hbm>>
      %dma_start3A_13 = arith.constant 0 : i32
      %dma_start3A_14 = tpu.memref_slice %arg10[%multiple_of3A, %dma_start3A_13] : memref<10240x144xf32, #tpu.memory_space<vmem_shared>> -> memref<640x144xf32, #tpu.memory_space<vmem_shared>>
      tpu.enqueue_dma source(%dma_start3A_14 : memref<640x144xf32, #tpu.memory_space<vmem_shared>>) target(%dma_start3A_12 : memref<640x144xf32, #tpu.memory_space<hbm>>) target_semaphore(%run_scoped3A : memref<!tpu.dma_semaphore, #tpu.memory_space<semaphore_mem>>)
      %dma_wait3A = arith.constant 0 : i32
      %dma_wait3A_15 = tpu.memref_slice %arg6[%arg0, %multiple_of3A, %dma_wait3A] : memref<2x10240x144xf32, #tpu.memory_space<hbm>> -> memref<1x640x144xf32, #tpu.memory_space<hbm>>
      %dma_wait3A_16 = tpu.memref_squeeze %dma_wait3A_15 : memref<1x640x144xf32, #tpu.memory_space<hbm>> -> memref<640x144xf32, #tpu.memory_space<hbm>>
      %dma_wait3A_17 = arith.constant 0 : i32
      %dma_wait3A_18 = tpu.memref_slice %arg10[%multiple_of3A, %dma_wait3A_17] : memref<10240x144xf32, #tpu.memory_space<vmem_shared>> -> memref<640x144xf32, #tpu.memory_space<vmem_shared>>
      tpu.wait_dma2 semaphore(%run_scoped3A : memref<!tpu.dma_semaphore, #tpu.memory_space<semaphore_mem>>) src(%dma_wait3A_18 : memref<640x144xf32, #tpu.memory_space<vmem_shared>>) dst(%dma_wait3A_16 : memref<640x144xf32, #tpu.memory_space<hbm>>)
      tpu.yield
    }) : () -> ()
    return
  }
}

module attributes {stable_mosaic.version = 14 : i64} {
  func.func @_l1_body(%arg0: i32, %arg1: memref<1000x128xf32, #tpu.memory_space<vmem>>, %arg2: memref<128x144xf32, #tpu.memory_space<vmem>>, %arg3: memref<128x128xf32, #tpu.memory_space<vmem>>, %arg4: memref<1x128xf32, #tpu.memory_space<vmem>>, %arg5: memref<1000x144xf32, #tpu.memory_space<vmem>>, %arg6: memref<1000x128xf32, #tpu.memory_space<vmem>>) attributes {dimension_semantics = [#tpu.dimension_semantics<arbitrary>], iteration_bounds = array<i64: 10>, scalar_prefetch = 0 : i64, scratch_operands = 0 : i64, tpu.core_type = #tpu.core_type<tc>, window_params = [{transform_indices = @transform_0, window_bounds = array<i64: 1000, 128>}, {pipeline_mode = #tpu.pipeline_mode<synchronous>, transform_indices = @transform_1, window_bounds = array<i64: 128, 144>}, {pipeline_mode = #tpu.pipeline_mode<synchronous>, transform_indices = @transform_2, window_bounds = array<i64: 128, 128>}, {pipeline_mode = #tpu.pipeline_mode<synchronous>, transform_indices = @transform_3, window_bounds = array<i64: 1, 128>}, {transform_indices = @transform_4, window_bounds = array<i64: 1000, 144>}, {transform_indices = @transform_5, window_bounds = array<i64: 1000, 128>}]} {
    %get3A = arith.constant 0 : index
    %get3A_0 = arith.constant 0 : index
    %get3A_1 = vector.load %arg1[%get3A, %get3A_0] : memref<1000x128xf32, #tpu.memory_space<vmem>>, vector<1000x128xf32>
    %iota3A = tpu.iota {dimensions = array<i32: 1>} : vector<1000x144xi32>
    %eq3A = arith.constant 128 : i32
    %eq3A_2 = vector.broadcast %eq3A : i32 to vector<1000x144xi32>
    %eq3A_3 = arith.cmpi eq, %iota3A, %eq3A_2 : vector<1000x144xi32>
    %convert_element_type3A = arith.extui %eq3A_3 : vector<1000x144xi1> to vector<1000x144xi32>
    %convert_element_type3A_4 = arith.sitofp %convert_element_type3A : vector<1000x144xi32> to vector<1000x144xf32>
    %get3A_5 = arith.constant 0 : index
    %get3A_6 = arith.constant 0 : index
    %get3A_7 = vector.load %arg2[%get3A_5, %get3A_6] : memref<128x144xf32, #tpu.memory_space<vmem>>, vector<128x144xf32>
    %dot_general3A = arith.constant dense<0.000000e+00> : vector<1000x144xf32>
    %dot_general3A_8 = tpu.matmul %get3A_1, %get3A_7, %dot_general3A {dimension_numbers = #tpu.dot_dimension_numbers<[1], [0], [0], [1], [0, 0, 1, 1], [], []>, transpose_lhs_hint = false} : vector<1000x128xf32>, vector<128x144xf32>, vector<1000x144xf32> -> vector<1000x144xf32>
    %add3A = arith.addf %dot_general3A_8, %convert_element_type3A_4 : vector<1000x144xf32>
    %swap3A = arith.constant 0 : index
    %swap3A_9 = arith.constant 0 : index
    %swap3A_10 = vector.load %arg5[%swap3A, %swap3A_9] : memref<1000x144xf32, #tpu.memory_space<vmem>>, vector<1000x144xf32>
    tpu.vector_store %arg5[%swap3A, %swap3A_9], %add3A {strides = array<i32>} : memref<1000x144xf32, #tpu.memory_space<vmem>>, vector<1000x144xf32>,
    %get3A_11 = arith.constant 0 : index
    %get3A_12 = arith.constant 0 : index
    %get3A_13 = vector.load %arg3[%get3A_11, %get3A_12] : memref<128x128xf32, #tpu.memory_space<vmem>>, vector<128x128xf32>
    %dot_general3A_14 = arith.constant dense<0.000000e+00> : vector<1000x128xf32>
    %dot_general3A_15 = tpu.matmul %get3A_1, %get3A_13, %dot_general3A_14 {dimension_numbers = #tpu.dot_dimension_numbers<[1], [0], [0], [1], [0, 0, 1, 1], [], []>, transpose_lhs_hint = false} : vector<1000x128xf32>, vector<128x128xf32>, vector<1000x128xf32> -> vector<1000x128xf32>
    %get3A_16 = arith.constant 0 : index
    %get3A_17 = arith.constant 0 : index
    %get3A_18 = vector.load %arg4[%get3A_16, %get3A_17] : memref<1x128xf32, #tpu.memory_space<vmem>>, vector<1x128xf32>
    %add3A_19 = vector.broadcast %get3A_18 : vector<1x128xf32> to vector<1000x128xf32>
    %add3A_20 = arith.addf %dot_general3A_15, %add3A_19 : vector<1000x128xf32>
    %swap3A_21 = arith.constant 0 : index
    %swap3A_22 = arith.constant 0 : index
    %swap3A_23 = vector.load %arg6[%swap3A_21, %swap3A_22] : memref<1000x128xf32, #tpu.memory_space<vmem>>, vector<1000x128xf32>
    tpu.vector_store %arg6[%swap3A_21, %swap3A_22], %add3A_20 {strides = array<i32>} : memref<1000x128xf32, #tpu.memory_space<vmem>>, vector<1000x128xf32>,
    return
  }
  func.func @transform_0(%arg0: i32) -> (i32, i32) {
    %c0_i32 = arith.constant 0 : i32
    %c0_i32_0 = arith.constant 0 : i32
    return %arg0, %c0_i32 : i32, i32
  }
  func.func @transform_1(%arg0: i32) -> (i32, i32) {
    %c0_i32 = arith.constant 0 : i32
    %c0_i32_0 = arith.constant 0 : i32
    %c0_i32_1 = arith.constant 0 : i32
    return %c0_i32, %c0_i32_0 : i32, i32
  }
  func.func @transform_2(%arg0: i32) -> (i32, i32) {
    %c0_i32 = arith.constant 0 : i32
    %c0_i32_0 = arith.constant 0 : i32
    %c0_i32_1 = arith.constant 0 : i32
    return %c0_i32, %c0_i32_0 : i32, i32
  }
  func.func @transform_3(%arg0: i32) -> (i32, i32) {
    %c0_i32 = arith.constant 0 : i32
    %c0_i32_0 = arith.constant 0 : i32
    %c0_i32_1 = arith.constant 0 : i32
    return %c0_i32, %c0_i32_0 : i32, i32
  }
  func.func @transform_4(%arg0: i32) -> (i32, i32) {
    %c0_i32 = arith.constant 0 : i32
    %c0_i32_0 = arith.constant 0 : i32
    return %arg0, %c0_i32 : i32, i32
  }
  func.func @transform_5(%arg0: i32) -> (i32, i32) {
    %c0_i32 = arith.constant 0 : i32
    %c0_i32_0 = arith.constant 0 : i32
    return %arg0, %c0_i32 : i32, i32
  }
}

module attributes {stable_mosaic.version = 14 : i64} {
  func.func @_l2_body(%arg0: i32, %arg1: memref<1000x144xf32, #tpu.memory_space<vmem>>, %arg2: memref<1000x144xf32, #tpu.memory_space<vmem>>, %arg3: memref<1000x128xf32, #tpu.memory_space<vmem>>, %arg4: memref<128x48xf32, #tpu.memory_space<vmem>>, %arg5: memref<128x40xf32, #tpu.memory_space<vmem>>, %arg6: memref<1x40xf32, #tpu.memory_space<vmem>>, %arg7: memref<1000x48xf32, #tpu.memory_space<vmem>>, %arg8: memref<1000x40xf32, #tpu.memory_space<vmem>>) attributes {dimension_semantics = [#tpu.dimension_semantics<arbitrary>], iteration_bounds = array<i64: 10>, scalar_prefetch = 0 : i64, scratch_operands = 0 : i64, tpu.core_type = #tpu.core_type<tc>, window_params = [{transform_indices = @transform_0, window_bounds = array<i64: 1000, 144>}, {transform_indices = @transform_1, window_bounds = array<i64: 1000, 144>}, {transform_indices = @transform_2, window_bounds = array<i64: 1000, 128>}, {pipeline_mode = #tpu.pipeline_mode<synchronous>, transform_indices = @transform_3, window_bounds = array<i64: 128, 48>}, {pipeline_mode = #tpu.pipeline_mode<synchronous>, transform_indices = @transform_4, window_bounds = array<i64: 128, 40>}, {pipeline_mode = #tpu.pipeline_mode<synchronous>, transform_indices = @transform_5, window_bounds = array<i64: 1, 40>}, {transform_indices = @transform_6, window_bounds = array<i64: 1000, 48>}, {transform_indices = @transform_7, window_bounds = array<i64: 1000, 40>}]} {
    %get3A = arith.constant 0 : index
    %get3A_0 = arith.constant 0 : index
    %get3A_1 = vector.load %arg1[%get3A, %get3A_0] : memref<1000x144xf32, #tpu.memory_space<vmem>>, vector<1000x144xf32>
    %get3A_2 = arith.constant 0 : index
    %get3A_3 = arith.constant 0 : index
    %get3A_4 = vector.load %arg2[%get3A_2, %get3A_3] : memref<1000x144xf32, #tpu.memory_space<vmem>>, vector<1000x144xf32>
    %add3A = arith.addf %get3A_1, %get3A_4 : vector<1000x144xf32>
    %slice3A = vector.extract_strided_slice %add3A {offsets = [0, 0], sizes = [1000, 128], strides = [1, 1]} : vector<1000x144xf32> to vector<1000x128xf32>
    %slice3A_5 = vector.extract_strided_slice %add3A {offsets = [0, 128], sizes = [1000, 1], strides = [1, 1]} : vector<1000x144xf32> to vector<1000x1xf32>
    %max3A = arith.constant 1.000000e+00 : f32
    %max3A_6 = vector.broadcast %max3A : f32 to vector<1000x1xf32>
    %max3A_7 = arith.maximumf %slice3A_5, %max3A_6 : vector<1000x1xf32>
    %div3A = vector.broadcast %max3A_7 : vector<1000x1xf32> to vector<1000x128xf32>
    %div3A_8 = arith.divf %slice3A, %div3A : vector<1000x128xf32>
    %get3A_9 = arith.constant 0 : index
    %get3A_10 = arith.constant 0 : index
    %get3A_11 = vector.load %arg3[%get3A_9, %get3A_10] : memref<1000x128xf32, #tpu.memory_space<vmem>>, vector<1000x128xf32>
    %add3A_12 = arith.addf %div3A_8, %get3A_11 : vector<1000x128xf32>
    %max3A_13 = arith.constant 0.000000e+00 : f32
    %max3A_14 = vector.broadcast %max3A_13 : f32 to vector<1000x128xf32>
    %max3A_15 = arith.maximumf %add3A_12, %max3A_14 : vector<1000x128xf32>
    %iota3A = tpu.iota {dimensions = array<i32: 1>} : vector<1000x48xi32>
    %eq3A = arith.constant 40 : i32
    %eq3A_16 = vector.broadcast %eq3A : i32 to vector<1000x48xi32>
    %eq3A_17 = arith.cmpi eq, %iota3A, %eq3A_16 : vector<1000x48xi32>
    %convert_element_type3A = arith.extui %eq3A_17 : vector<1000x48xi1> to vector<1000x48xi32>
    %convert_element_type3A_18 = arith.sitofp %convert_element_type3A : vector<1000x48xi32> to vector<1000x48xf32>
    %get3A_19 = arith.constant 0 : index
    %get3A_20 = arith.constant 0 : index
    %get3A_21 = vector.load %arg4[%get3A_19, %get3A_20] : memref<128x48xf32, #tpu.memory_space<vmem>>, vector<128x48xf32>
    %dot_general3A = arith.constant dense<0.000000e+00> : vector<1000x48xf32>
    %dot_general3A_22 = tpu.matmul %max3A_15, %get3A_21, %dot_general3A {dimension_numbers = #tpu.dot_dimension_numbers<[1], [0], [0], [1], [0, 0, 1, 1], [], []>, transpose_lhs_hint = false} : vector<1000x128xf32>, vector<128x48xf32>, vector<1000x48xf32> -> vector<1000x48xf32>
    %add3A_23 = arith.addf %dot_general3A_22, %convert_element_type3A_18 : vector<1000x48xf32>
    %swap3A = arith.constant 0 : index
    %swap3A_24 = arith.constant 0 : index
    %swap3A_25 = vector.load %arg7[%swap3A, %swap3A_24] : memref<1000x48xf32, #tpu.memory_space<vmem>>, vector<1000x48xf32>
    tpu.vector_store %arg7[%swap3A, %swap3A_24], %add3A_23 {strides = array<i32>} : memref<1000x48xf32, #tpu.memory_space<vmem>>, vector<1000x48xf32>,
    %get3A_26 = arith.constant 0 : index
    %get3A_27 = arith.constant 0 : index
    %get3A_28 = vector.load %arg5[%get3A_26, %get3A_27] : memref<128x40xf32, #tpu.memory_space<vmem>>, vector<128x40xf32>
    %dot_general3A_29 = arith.constant dense<0.000000e+00> : vector<1000x40xf32>
    %dot_general3A_30 = tpu.matmul %max3A_15, %get3A_28, %dot_general3A_29 {dimension_numbers = #tpu.dot_dimension_numbers<[1], [0], [0], [1], [0, 0, 1, 1], [], []>, transpose_lhs_hint = false} : vector<1000x128xf32>, vector<128x40xf32>, vector<1000x40xf32> -> vector<1000x40xf32>
    %get3A_31 = arith.constant 0 : index
    %get3A_32 = arith.constant 0 : index
    %get3A_33 = vector.load %arg6[%get3A_31, %get3A_32] : memref<1x40xf32, #tpu.memory_space<vmem>>, vector<1x40xf32>
    %add3A_34 = vector.broadcast %get3A_33 : vector<1x40xf32> to vector<1000x40xf32>
    %add3A_35 = arith.addf %dot_general3A_30, %add3A_34 : vector<1000x40xf32>
    %swap3A_36 = arith.constant 0 : index
    %swap3A_37 = arith.constant 0 : index
    %swap3A_38 = vector.load %arg8[%swap3A_36, %swap3A_37] : memref<1000x40xf32, #tpu.memory_space<vmem>>, vector<1000x40xf32>
    tpu.vector_store %arg8[%swap3A_36, %swap3A_37], %add3A_35 {strides = array<i32>} : memref<1000x40xf32, #tpu.memory_space<vmem>>, vector<1000x40xf32>,
    return
  }
  func.func @transform_0(%arg0: i32) -> (i32, i32) {
    %c0_i32 = arith.constant 0 : i32
    %c0_i32_0 = arith.constant 0 : i32
    return %arg0, %c0_i32 : i32, i32
  }
  func.func @transform_1(%arg0: i32) -> (i32, i32) {
    %c0_i32 = arith.constant 0 : i32
    %c0_i32_0 = arith.constant 0 : i32
    return %arg0, %c0_i32 : i32, i32
  }
  func.func @transform_2(%arg0: i32) -> (i32, i32) {
    %c0_i32 = arith.constant 0 : i32
    %c0_i32_0 = arith.constant 0 : i32
    return %arg0, %c0_i32 : i32, i32
  }
  func.func @transform_3(%arg0: i32) -> (i32, i32) {
    %c0_i32 = arith.constant 0 : i32
    %c0_i32_0 = arith.constant 0 : i32
    %c0_i32_1 = arith.constant 0 : i32
    return %c0_i32, %c0_i32_0 : i32, i32
  }
  func.func @transform_4(%arg0: i32) -> (i32, i32) {
    %c0_i32 = arith.constant 0 : i32
    %c0_i32_0 = arith.constant 0 : i32
    %c0_i32_1 = arith.constant 0 : i32
    return %c0_i32, %c0_i32_0 : i32, i32
  }
  func.func @transform_5(%arg0: i32) -> (i32, i32) {
    %c0_i32 = arith.constant 0 : i32
    %c0_i32_0 = arith.constant 0 : i32
    %c0_i32_1 = arith.constant 0 : i32
    return %c0_i32, %c0_i32_0 : i32, i32
  }
  func.func @transform_6(%arg0: i32) -> (i32, i32) {
    %c0_i32 = arith.constant 0 : i32
    %c0_i32_0 = arith.constant 0 : i32
    return %arg0, %c0_i32 : i32, i32
  }
  func.func @transform_7(%arg0: i32) -> (i32, i32) {
    %c0_i32 = arith.constant 0 : i32
    %c0_i32_0 = arith.constant 0 : i32
    return %arg0, %c0_i32 : i32, i32
  }
}

module attributes {stable_mosaic.version = 14 : i64} {
  func.func @_out_body(%arg0: i32, %arg1: memref<1000x48xf32, #tpu.memory_space<vmem>>, %arg2: memref<1000x48xf32, #tpu.memory_space<vmem>>, %arg3: memref<1000x40xf32, #tpu.memory_space<vmem>>, %arg4: memref<1000x40xf32, #tpu.memory_space<vmem>>) attributes {dimension_semantics = [#tpu.dimension_semantics<arbitrary>], iteration_bounds = array<i64: 10>, scalar_prefetch = 0 : i64, scratch_operands = 0 : i64, tpu.core_type = #tpu.core_type<tc>, window_params = [{transform_indices = @transform_0, window_bounds = array<i64: 1000, 48>}, {transform_indices = @transform_1, window_bounds = array<i64: 1000, 48>}, {transform_indices = @transform_2, window_bounds = array<i64: 1000, 40>}, {transform_indices = @transform_3, window_bounds = array<i64: 1000, 40>}]} {
    %get3A = arith.constant 0 : index
    %get3A_0 = arith.constant 0 : index
    %get3A_1 = vector.load %arg1[%get3A, %get3A_0] : memref<1000x48xf32, #tpu.memory_space<vmem>>, vector<1000x48xf32>
    %get3A_2 = arith.constant 0 : index
    %get3A_3 = arith.constant 0 : index
    %get3A_4 = vector.load %arg2[%get3A_2, %get3A_3] : memref<1000x48xf32, #tpu.memory_space<vmem>>, vector<1000x48xf32>
    %add3A = arith.addf %get3A_1, %get3A_4 : vector<1000x48xf32>
    %slice3A = vector.extract_strided_slice %add3A {offsets = [0, 0], sizes = [1000, 40], strides = [1, 1]} : vector<1000x48xf32> to vector<1000x40xf32>
    %slice3A_5 = vector.extract_strided_slice %add3A {offsets = [0, 40], sizes = [1000, 1], strides = [1, 1]} : vector<1000x48xf32> to vector<1000x1xf32>
    %max3A = arith.constant 1.000000e+00 : f32
    %max3A_6 = vector.broadcast %max3A : f32 to vector<1000x1xf32>
    %max3A_7 = arith.maximumf %slice3A_5, %max3A_6 : vector<1000x1xf32>
    %div3A = vector.broadcast %max3A_7 : vector<1000x1xf32> to vector<1000x40xf32>
    %div3A_8 = arith.divf %slice3A, %div3A : vector<1000x40xf32>
    %get3A_9 = arith.constant 0 : index
    %get3A_10 = arith.constant 0 : index
    %get3A_11 = vector.load %arg3[%get3A_9, %get3A_10] : memref<1000x40xf32, #tpu.memory_space<vmem>>, vector<1000x40xf32>
    %add3A_12 = arith.addf %div3A_8, %get3A_11 : vector<1000x40xf32>
    %reduce_max3A = arith.constant dense<0xFF800000> : vector<1000xf32>
    %reduce_max3A_13 = vector.multi_reduction <maximumf>, %add3A_12, %reduce_max3A [1] : vector<1000x40xf32> to vector<1000xf32>
    %broadcast_in_dim3A = vector.shape_cast %reduce_max3A_13 : vector<1000xf32> to vector<1000x1xf32>
    %sub3A = vector.broadcast %broadcast_in_dim3A : vector<1000x1xf32> to vector<1000x40xf32>
    %sub3A_14 = arith.subf %add3A_12, %sub3A : vector<1000x40xf32>
    %exp3A = math.exp %sub3A_14 : vector<1000x40xf32>
    %reduce_sum3A = arith.constant dense<0.000000e+00> : vector<1000xf32>
    %reduce_sum3A_15 = vector.multi_reduction <add>, %exp3A, %reduce_sum3A [1] : vector<1000x40xf32> to vector<1000xf32>
    %broadcast_in_dim3A_16 = vector.shape_cast %reduce_sum3A_15 : vector<1000xf32> to vector<1000x1xf32>
    %log3A = math.log %broadcast_in_dim3A_16 : vector<1000x1xf32>
    %sub3A_17 = vector.broadcast %broadcast_in_dim3A : vector<1000x1xf32> to vector<1000x40xf32>
    %sub3A_18 = arith.subf %add3A_12, %sub3A_17 : vector<1000x40xf32>
    %sub3A_19 = vector.broadcast %log3A : vector<1000x1xf32> to vector<1000x40xf32>
    %sub3A_20 = arith.subf %sub3A_18, %sub3A_19 : vector<1000x40xf32>
    %swap3A = arith.constant 0 : index
    %swap3A_21 = arith.constant 0 : index
    %swap3A_22 = vector.load %arg4[%swap3A, %swap3A_21] : memref<1000x40xf32, #tpu.memory_space<vmem>>, vector<1000x40xf32>
    tpu.vector_store %arg4[%swap3A, %swap3A_21], %sub3A_20 {strides = array<i32>} : memref<1000x40xf32, #tpu.memory_space<vmem>>, vector<1000x40xf32>,
    return
  }
  func.func @transform_0(%arg0: i32) -> (i32, i32) {
    %c0_i32 = arith.constant 0 : i32
    %c0_i32_0 = arith.constant 0 : i32
    return %arg0, %c0_i32 : i32, i32
  }
  func.func @transform_1(%arg0: i32) -> (i32, i32) {
    %c0_i32 = arith.constant 0 : i32
    %c0_i32_0 = arith.constant 0 : i32
    return %arg0, %c0_i32 : i32, i32
  }
  func.func @transform_2(%arg0: i32) -> (i32, i32) {
    %c0_i32 = arith.constant 0 : i32
    %c0_i32_0 = arith.constant 0 : i32
    return %arg0, %c0_i32 : i32, i32
  }
  func.func @transform_3(%arg0: i32) -> (i32, i32) {
    %c0_i32 = arith.constant 0 : i32
    %c0_i32_0 = arith.constant 0 : i32
    return %arg0, %c0_i32 : i32, i32
  }
}

</mosaic_0001>

<sc_bundles>
// kernel: kernel.10.cloned.1.call-start
scs
__scs_entry_jumppad:
0x0: {  	(pc) =	sbr.rel $0x88, $3  }
0x1: {  	(tag) =	ssettag $0x0;
	lr =	simm.s32 $0x1  }
0x2: {  	[smem:$0x3F99] =	sst lr;
	_ =	strace $0xD0000000  }
0x3: {  	_ = 	snop  }
0x4: {  	_ = 	snop  }
0x5: {  	_ = 	snop  }
0x6: {  	_ = 	snop  }
0x7: {  	_ = 	snop  }
__scs_overlays_trampoline_lowered:
0x8: {  	[smem:$0x3FA8] =	sst s0  }
0x9: {  	[smem:$0x3FA9] =	sst s1  }
0xa: {  	[smem:$0x3FAA] =	sst s2  }
0xb: {  	[smem:$0x3FAB] =	sst s3  }
0xc: {  	[smem:$0x3FAC] =	sst s4  }
0xd: {  	[smem:$0x3FAD] =	sst s5  }
0xe: {  	[smem:$0x3FAE] =	sst s6  }
0xf: {  	[smem:$0x3FAF] =	sst s7  }
0x10: {  	[smem:$0x3FB0] =	sst s8  }
0x11: {  	[smem:$0x3FB1] =	sst s9;
	s0 =	simm.s32 @!p0 $0x0  }
0x12: {  	s1 =	sld [smem:$0x3F97];
	s0 =	simm.s32 @p0 $0x1  }
0x13: {  	[smem:$0x3FB2] =	sst s0;
	s0 =	simm.s32 @!p1 $0x0  }
0x14: {  	s2 =	sld [smem:$0x3F96];
	s0 =	simm.s32 @p1 $0x1  }
0x15: {  	[smem:$0x3FB3] =	sst s0;
	s0 =	simm.s32 @!p2 $0x0  }
0x16: {  	s3 =	sld [smem:$0x3FDB];
	s0 =	simm.s32 @p2 $0x1  }
0x17: {  	s4 =	simm.s32 $0x1BF5;
	[smem:$0x3FB5] =	sst s0  }
0x18: {  	s0 =	sld [smem:$0x3F98];
	_ =	swait.ge [sflag:s4], $0x0  }
0x19: {  	s7 =	sld [smem:$0x3F99]  }
0x1a: {  	s8 =	sadd.s32 $0xFFFFE003, lr  }
0x1b: {  	s9 =	sadd.s32 $0xFFFFFEF7, lr;
	s5 =	simm.s32 $0xFFFFFFFF;
	p2 =	slt.u32 s8, $0xFFFFF086  }
0x1c: {  	p1 =	slt.u32 s9, $0xF7A;
	s5 =	simm.s32 @!p2 $0x0  }
0x1d: {  	s5 =	simm.s32 @p1 $0x1;
	p0 =	seq.s32 s7, s2  }
0x1e: {  	s7 =	smul.u32 @!p0 $0xF7A, s2;
	p2 =	seq.s32 @!p0 s5, $0x0  }
0x1f: {  	s9 =	smul.u32 $0xF7A, s1;
	s8 =	simm.s32 @!p0 $0x1BF5;
	p2 =	por !p2, p0  }
0x20: {  	[sflag:s8] =	ssyncset.s32 @!p0 $0xFFFFF086;
	s6 =	sadd.s32 @!p0 s3, s7;
	s7 =	simm.s32 @!p0 $0x108  }
0x21: {  	s3 =	sadd.s32 s3, s9;
	s6 =	sadd.s32 @!p0 $0x88, s6;
	s7 =	simm.s32 @p2 $0x1082  }
0x22: {  	[simem:s7], [sflag:s8] =	dma.local @!p0 [hbm:s6], $0xF7A  }
0x23: {  	s9 =	sor.u32 $0xD0000000, s2;
	s6 =	simm.s32 $0x108;
	_ =	swait.ge @!p0 [sflag:s8], $0x0  }
0x24: {  	s3 =	sadd.s32 $0x88, s3;
	s6 =	simm.s32 @!p1 $0x1082;
	[sflag:s4] =	ssyncset.s32 $0xFFFFF086  }
0x25: {  	[simem:s6], [sflag:s4] =	dma.local [hbm:s3], $0xF7A  }
0x26: {  	[smem:$0x3F99] =	sst s1;
	(tag) =	ssettag s2;
	_ =	strace s9  }
0x27: {  	s1 =	sld [smem:$0x3FA9]  }
0x28: {  	s2 =	sld [smem:$0x3FAA]  }
0x29: {  	s4 =	sld [smem:$0x3FAC]  }
0x2a: {  	p0 =	seq.s32 s5, $0x0;
	s5 =	sld [smem:$0x3FAD]  }
0x2b: {  	s6 =	sld [smem:$0x3FAE]  }
0x2c: {  	s7 =	sld [smem:$0x3FAF]  }
0x2d: {  	s3 =	simm.s32 $0x108;
	s8 =	sld [smem:$0x3FB0]  }
0x2e: {  	s3 =	simm.s32 @!p0 $0x1082;
	s9 =	sld [smem:$0x3FB1]  }
0x2f: {  	lr =	sadd.s32 s0, s3;
	s0 =	sld [smem:$0x3FA8]  }
0x30: {  	s3 =	sld [smem:$0x3FAB]  }
0x31: {  	[smem:$0x3FB4] =	sst s10  }
0x32: {  	s10 =	sld [smem:$0x3FB2];
	_ =	sdelay $0x3  }
0x33: {  	p0 =	seq.s32 s10, $0x1;
	s10 =	sld [smem:$0x3FB4];
	_ =	sdelay $0x3  }
0x34: {  	[smem:$0x3FB4] =	sst s10  }
0x35: {  	s10 =	sld [smem:$0x3FB3];
	_ =	sdelay $0x3  }
0x36: {  	p1 =	seq.s32 s10, $0x1;
	s10 =	sld [smem:$0x3FB4];
	_ =	sdelay $0x3  }
0x37: {  	[smem:$0x3FB4] =	sst s10  }
0x38: {  	s10 =	sld [smem:$0x3FB5]  }
0x39: {  	_ = 	snop;
	(pc) =	sbr.ind lr, $3  }
0x3a: {  	_ = 	snop  }
0x3b: {  	_ = 	snop  }
0x3c: {  	p2 =	seq.s32 s10, $0x1;
	s10 =	sld [smem:$0x3FB4]  }
0x3d: {  	_ =	shalt  }
0x3e: {  	_ =	shalt  }
0x3f: {  	_ =	shalt  }
0x40: {  	_ =	shalt  }
0x41: {  	_ =	shalt  }
0x42: {  	_ =	shalt  }
0x43: {  	_ =	shalt  }
0x44: {  	_ =	shalt  }
0x45: {  	_ =	shalt  }
0x46: {  	_ =	shalt  }
0x47: {  	_ =	shalt  }
0x48: {  	_ =	shalt  }
0x49: {  	_ =	shalt  }
0x4a: {  	_ =	shalt  }
0x4b: {  	_ =	shalt  }
0x4c: {  	_ =	shalt  }
0x4d: {  	_ =	shalt  }
0x4e: {  	_ =	shalt  }
0x4f: {  	_ =	shalt  }
0x50: {  	_ =	shalt  }
0x51: {  	_ =	shalt  }
0x52: {  	_ =	shalt  }
0x53: {  	_ =	shalt  }
0x54: {  	_ =	shalt  }
0x55: {  	_ =	shalt  }
0x56: {  	_ =	shalt  }
0x57: {  	_ =	shalt  }
0x58: {  	_ =	shalt  }
0x59: {  	_ =	shalt  }
0x5a: {  	_ =	shalt  }
0x5b: {  	_ =	shalt  }
0x5c: {  	_ =	shalt  }
0x5d: {  	_ =	shalt  }
0x5e: {  	_ =	shalt  }
0x5f: {  	_ =	shalt  }
0x60: {  	_ =	shalt  }
0x61: {  	_ =	shalt  }
0x62: {  	_ =	shalt  }
0x63: {  	_ =	shalt  }
0x64: {  	_ =	shalt  }
0x65: {  	_ =	shalt  }
0x66: {  	_ =	shalt  }
0x67: {  	_ =	shalt  }
0x68: {  	_ =	shalt  }
0x69: {  	_ =	shalt  }
0x6a: {  	_ =	shalt  }
0x6b: {  	_ =	shalt  }
0x6c: {  	_ =	shalt  }
0x6d: {  	_ =	shalt  }
0x6e: {  	_ =	shalt  }
0x6f: {  	_ =	shalt  }
0x70: {  	_ =	shalt  }
0x71: {  	_ =	shalt  }
0x72: {  	_ =	shalt  }
0x73: {  	_ =	shalt  }
0x74: {  	_ =	shalt  }
0x75: {  	_ =	shalt  }
0x76: {  	_ =	shalt  }
0x77: {  	_ =	shalt  }
0x78: {  	_ =	shalt  }
0x79: {  	_ =	shalt  }
0x7a: {  	_ =	shalt  }
0x7b: {  	_ =	shalt  }
0x7c: {  	_ =	shalt  }
0x7d: {  	_ =	shalt  }
0x7e: {  	_ =	shalt  }
0x7f: {  	_ =	shalt  }
0x80: {  	_ =	shalt  }
0x81: {  	_ =	shalt  }
0x82: {  	_ =	shalt  }
0x83: {  	_ =	shalt  }
0x84: {  	_ =	shalt  }
0x85: {  	_ =	shalt  }
0x86: {  	_ =	shalt  }
0x87: {  	_ =	shalt  }
.Lfunc_end0:
.L_simem_size_0:
called_computation.1_lowered:
.L_overlay_start_0:
0x88: {  	s2 =	sld [smem:$0x3FD9]  }
0x89: {  	s3 =	sld [smem:$0x3FFE];
	_ =	sdelay $0x1  }
0x8a: {  	s1 =	srdreg.scid  }
0x8b: {  	s0 =	sand.u32 $0x1, s1  }
0x8c: {  	s17 =	sshll.u32 s0, $0xA;
	s2 =	sadd.s32 s3, s2  }
0x8d: {  	s2 =	sadd.s32 s2, s17  }
0x8e: {  	[smem:$0x3FC0] =	sst s2  }
0x8f: {  	_ = 	snop  }
0x90: {  	s2 =	sld [smem:$0x3FD0];
	(tm) =	ssettm $0x1  }
0x91: {  	s18 =	sld [smem:$0x3FFB];
	_ =	sdelay $0x3  }
0x92: {  	_ =	strace s18  }
0x93: {  	s3 =	sld [smem:$0x3FFC];
	_ =	sdelay $0x3  }
0x94: {  	_ =	strace s3  }
0x95: {  	s3 =	sld [smem:$0x3FFD];
	_ =	sdelay $0x3  }
0x96: {  	_ =	strace s3  }
0x97: {  	_ =	strace $0x8FFFFFFF  }
0x98: {  	s19 =	sld [smem:$0x3FDB];
	_ =	sdelay $0x1  }
0x99: {  	s4 =	simm.s32 $_scs_section_size  }
0x9a: {  	s5 =	simm.s32 $_size__tile_overlayer_lowered;
	s6 =	simm.s32 $_tile_overlayer_lowered  }
0x9b: {  	s22 =	simm.s32 $0x1BFF;
	s21 =	sshll.u32 s6, $0x1;
	s3 =	sadd.s32 s4, s19  }
0x9c: {  	s7 =	simm.s32 $0x0;
	s20 =	sshll.u32 s5, $0x1;
	s5 =	sadd.s32 s21, s3  }
0x9d: {  	[timem:s7], [sflag:s22] =	dma.local [hbm:s5], s20  }
0x9e: {  	_ =	swait.ge [sflag:s22], s20  }
0x9f: {  	s4 =	ssub.s32 $0x0, s20;
	[sflag:s22] =	ssyncset.done $0x0  }
0xa0: {  	[sflag:s22] =	ssyncadd.s32 s4;
	_ =	sdelay $0x1  }
0xa1: {  	s23 =	simm.s32 $0x1B8B  }
0xa2: {  	_ =	swait.ge [sflag:s23], $0x1  }
0xa3: {  	[sflag:s23] =	ssyncset.done $0x0  }
0xa4: {  	s25 =	simm.s32 $0x1B8E;
	s24 =	sld [smem:$0x3FFE];
	[sflag:s23] =	ssyncadd.s32 $0xFFFFFFFF  }
0xa5: {  	s26 =	simm.s32 $execute0_lowered;
	[smem:$0x3FD2] =	sst s25  }
0xa6: {  	s5 =	sshll.u32 s26, $0x1;
	_ =	strace $0x80000049;
	[dreg:$0x1] =	wrdreg $0xFFFFFFFF  }
0xa7: {  	s28 =	simm.s32 $_size_execute0_lowered;
	s3 =	sadd.s32 s3, s5;
	[dreg:$0x0] =	wrdreg $0x0  }
0xa8: {  	s5 =	sshll.u32 s28, $0x1;
	[dreg:$0x2] =	wrdreg s3  }
0xa9: {  	[dreg:$0x3] =	wrdreg s5  }
0xaa: {  	[dreg:$0x4] =	wrdreg $0xC0  }
0xab: {  	_ =	task [dreg:s7], $0x5FFFF  }
0xac: {  	[dreg:$0x1] =	wrdreg $0xFFFFFFFF  }
0xad: {  	[dreg:$0x0] =	wrdreg $0x60  }
0xae: {  	[dreg:$0x2] =	wrdreg s24  }
0xaf: {  	[dreg:$0x3] =	wrdreg s2  }
0xb0: {  	[dreg:$0x4] =	wrdreg $0xFA00  }
0xb1: {  	[dreg:$0x5] =	wrdreg $0x9  }
0xb2: {  	_ =	task.clear_ibuf [dreg:s7], $0x6FFFF;
	_ =	strace $0x90000049  }
0xb3: {  	s29 =	simm.s32 $0x9;
	_ =	strace $0x8000004B  }
0xb4: {  	_ =	swait.ge [sflag:s29], $0x1  }
0xb5: {  	[sflag:s29] =	ssyncadd.s32 $0xFFFFFFFF  }
0xb6: {  	_ =	strace $0x9000004B  }
0xb7: {  	_ =	sfence  }
0xb8: {  	s30 =	sld [smem:$0x0];
	_ =	sdelay $0x2  }
0xb9: {  	s31 =	sshll.u32 s1, $0xD;
	s1 =	sshrl.u32 s1, $0x2  }
0xba: {  	s3 =	sand.u32 $0x4000, s31;
	s1 =	sadd.s32 s1, s30  }
0xbb: {  	s0 =	sor.u32 s3, s0;
	s1 =	sshll.u32 s1, $0x11  }
0xbc: {  	s0 =	sor.u32 s1, s0  }
0xbd: {  	s0 =	sadd.s32 $0x8F2B, s0  }
0xbe: {  	[sflag:s0] =	ssyncadd.remote.s32 $0x1  }
0xbf: {  	_ =	sfence.sel $0xFFFF  }
0xc0: {  	[dreg:$0x0] =	wrdreg $0xFFFFFFFF;
	(pc) =	sbr.abs _section_cstart, $3  }
0xc1: {  	[dreg:$0x1] =	wrdreg $0xFFFFFFFF  }
0xc2: {  	_ =	task.clear_ibuf [dreg:s7], $0x2FFFF;
	_ =	strace $0x9FFFFFFF  }
0xc3: {  	(tm) =	ssettm $0x7FFFFFFF  }
tec
execute0_lowered:
.L_overlay_start_1:
0x0: {  	(tag) =	ssettag $0x1  }
0x1: {  	s5 =	rddreg [dreg:$0x0]  }
0x2: {  	s0 =	srdreg.scid;
	s9 =	rddreg [dreg:$0x1]  }
0x3: {  	s2 =	rddreg [dreg:$0x2];
	s6 =	sand.u32 $0x1, s0  }
0x4: {  	s0 =	stileid.u32;
	s4 =	smul.u32 $0x27100, s6  }
0x5: {  	s1 =	rddreg [dreg:$0x3];
	s3 =	simm.s32 $0x0;
	s7 =	smul.u32 $0x2710, s0  }
0x6: {  	s15 =	simm.s32 $0x1;
	s16 =	simm.s32 $0x0;
	s8 =	smul.u32 $0x7800, s0  }
0x7: {  	[smem:$0x7FF] =	sst s3;
	s29 =	smul.u32 $0x78000, s6;
	s6 =	ssub.s32 $0x2, s6  }
0x8: {  	_ =	strace $0x8000004A;
	s31 =	sshll.u32 s0, $0x6;
	s30 =	sshrl.u32 s6, $0x1  }
0x9: {  	s4 =	sadd.s32 s7, s4;
	s7 =	sadd.s32 s8, s29;
	s12 =	sshrl.u32 s8, $0x3  }
0xa: {  	s13 =	ssub.s32 s6, s30;
	s14 =	sadd.s32 s8, s2;
	s6 =	sor.u32 $0x1C02, s31  }
0xb: {  	s10 =	sshrl.u32 s4, $0x3;
	s4 =	sadd.s32 $0xB400, s5;
	s7 =	sshrl.u32 s7, $0x3  }
0xc: {  	s12 =	sadd.s32 s12, s5;
	s8 =	smax.u32 s13, $0x1;
	s13 =	simm.s32 $0x50  }
0xd: {  	s11 =	sadd.s32 s10, s5;
	s7 =	sadd.s32 s7, s5;
	s5 =	sadd.s32 $0x1A000, s12  }
0xe: {  	s9 =	sadd.s32 s10, s9;
	s12 =	simm.s32 $0x2;
	s7 =	sadd.s32 $0x29000, s7  }
0xf: {  	s10 =	sadd.s32 $0x1600, s11;
	s11 =	sshrl.u32 s14, $0x3;
	s14 =	simm.s32 $0xA0  }
.LBB2_1:
0x10: {  	[spmem:s11], [sflag:s6] =	dma.local [hbm:s5], $0xF00  }
0x11: {  	_ =	swait.ge [sflag:s12], $0xF00  }
0x12: {  	[sflag:s12] =	ssyncset.done $0x0  }
0x13: {  	[sflag:s12] =	ssyncadd.s32 $0xFFFFF100  }
0x14: {  	s17 =	sadd.s32 $0x0, s10;
	[bflag:$0x0] =	sbarrier.arrive $0xFFFF  }
0x15: {  	[tilespmem:s3], [sflag:$0x2] =	stream.linear.gather [hbm4b:s17+s3], $0x50, $0x38;
	[tilespmem:$0x87A0] =	vst v63  }
0x16: {  	_ =	swait.ge [sflag:s12], $0x50  }
0x17: {  	[sflag:s12] =	ssyncset.done $0x0  }
0x18: {  	s31 =	sadd.s32 $0x0, s9;
	[sflag:s12] =	ssyncadd.s32 $0xFFFFFFB0  }
0x19: {  	[tilespmem:s13], [sflag:$0x2] =	stream.linear.gather [hbm4b:s31+s3], $0x50, $0x38;
	[tilespmem:$0x87A0] =	vst v63  }
0x1a: {  	_ =	swait.ge [sflag:s12], $0x50  }
0x1b: {  	[sflag:s12] =	ssyncset.done $0x0  }
0x1c: {  	[sflag:s12] =	ssyncadd.s32 $0xFFFFFFB0  }
0x1d: {  	[tilespmem:s14], [sflag:$0x1] =	stream.indirect.gather [hbm4b:s4+s13], $0x30, s3, s13, $0xb8;
	[tilespmem:$0x87A0] =	vst v63  }
0x1e: {  	_ =	swait.ge [sflag:s15], $0xF00  }
0x1f: {  	[sflag:s15] =	ssyncset.done $0x0  }
0x20: {  	[sflag:s15] =	ssyncadd.s32 $0xFFFFF100  }
0x21: {  	[spmem:s2] =	stream.indirect.scatter.add.f32 [tilespmem:s14], [sflag:$0x2], $0x30, s13, s13, $0xb8;
	[tilespmem:$0x87A0] =	vst v63  }
0x22: {  	_ =	swait.ge [sflag:s12], $0xF00  }
0x23: {  	s18 =	simm.s32 $0x14;
	s17 =	simm.s32 $0xA;
	[sflag:s12] =	ssyncset.done $0x0  }
.LBB2_2:
0x24: {  	s19 =	sadd.s32 s17, s10  }
0x25: {  	[sflag:s12] =	ssyncadd.s32 $0xFFFFF100;
	s20 =	smov.u32 s18;
	s21 =	sadd.s32 $0xA, s18  }
0x26: {  	[tilespmem:s3], [sflag:$0x2] =	stream.linear.gather [hbm4b:s19+s3], $0x50, $0x38;
	[tilespmem:$0x87A0] =	vst v63  }
0x27: {  	p0 =	sne.s32 s18, $0x4D8;
	_ =	swait.ge [sflag:s12], $0x50  }
0x28: {  	[sflag:s12] =	ssyncset.done $0x0  }
0x29: {  	s18 =	sadd.s32 s17, s9;
	s17 =	smov.u32 s20;
	[sflag:s12] =	ssyncadd.s32 $0xFFFFFFB0  }
0x2a: {  	[tilespmem:s13], [sflag:$0x2] =	stream.linear.gather [hbm4b:s18+s3], $0x50, $0x38;
	[tilespmem:$0x87A0] =	vst v63  }
0x2b: {  	_ =	swait.ge [sflag:s12], $0x50  }
0x2c: {  	[sflag:s12] =	ssyncset.done $0x0  }
0x2d: {  	[sflag:s12] =	ssyncadd.s32 $0xFFFFFFB0  }
0x2e: {  	[tilespmem:s14], [sflag:$0x1] =	stream.indirect.gather [hbm4b:s4+s13], $0x30, s3, s13, $0xb8;
	[tilespmem:$0x87A0] =	vst v63  }
0x2f: {  	_ =	swait.ge [sflag:s15], $0xF00  }
.Ltmp0:
0x30: {  	[sflag:s15] =	ssyncset.done $0x0;
	(pc) =	sbr.rel @p0 .LBB2_2-.Ltmp0, $4  }
0x31: {  	[sflag:s15] =	ssyncadd.s32 $0xFFFFF100  }
0x32: {  	[spmem:s2] =	stream.indirect.scatter.add.f32 [tilespmem:s14], [sflag:$0x2], $0x30, s13, s13, $0xb8;
	[tilespmem:$0x87A0] =	vst v63  }
0x33: {  	_ =	swait.ge [sflag:s12], $0xF00  }
0x34: {  	s18 =	smov.u32 s21;
	[sflag:s12] =	ssyncset.done $0x0  }
0x35: {  	s18 =	sadd.s32 s17, s10;
	[sflag:s12] =	ssyncadd.s32 $0xFFFFF100  }
0x36: {  	[tilespmem:s3], [sflag:$0x2] =	stream.linear.gather [hbm4b:s18+s3], $0x50, $0x38;
	[tilespmem:$0x87A0] =	vst v63  }
0x37: {  	_ =	swait.ge [sflag:s12], $0x50  }
0x38: {  	[sflag:s12] =	ssyncset.done $0x0  }
0x39: {  	s31 =	sadd.s32 s17, s9;
	[sflag:s12] =	ssyncadd.s32 $0xFFFFFFB0  }
0x3a: {  	[tilespmem:s13], [sflag:$0x2] =	stream.linear.gather [hbm4b:s31+s3], $0x50, $0x38;
	[tilespmem:$0x87A0] =	vst v63  }
0x3b: {  	_ =	swait.ge [sflag:s12], $0x50  }
0x3c: {  	[sflag:s12] =	ssyncset.done $0x0  }
0x3d: {  	[sflag:s12] =	ssyncadd.s32 $0xFFFFFFB0  }
0x3e: {  	[tilespmem:s14], [sflag:$0x1] =	stream.indirect.gather [hbm4b:s4+s13], $0x30, s3, s13, $0xb8;
	[tilespmem:$0x87A0] =	vst v63  }
0x3f: {  	_ =	swait.ge [sflag:s15], $0xF00  }
0x40: {  	[sflag:s15] =	ssyncset.done $0x0  }
0x41: {  	[sflag:s15] =	ssyncadd.s32 $0xFFFFF100  }
0x42: {  	[spmem:s2] =	stream.indirect.scatter.add.f32 [tilespmem:s14], [sflag:$0x2], $0x30, s13, s13, $0xb8;
	[tilespmem:$0x87A0] =	vst v63  }
0x43: {  	_ =	swait.ge [sflag:s12], $0xF00  }
0x44: {  	s16 =	sadd.s32 $0x1, s16;
	[sflag:s12] =	ssyncset.done $0x0  }
0x45: {  	p0 =	sne.s32 s16, s8;
	[sflag:s12] =	ssyncadd.s32 $0xFFFFF100  }
.Ltmp1:
0x46: {  	[bflag:$0x0] =	sbarrier.arrive $0xFFFF;
	(pc) =	sbr.rel @p0 .LBB2_1-.Ltmp1, $4  }
0x47: {  	[hbm:s7], [sflag:s6] =	dma.local [spmem:s11], $0xF00  }
0x48: {  	_ =	swait.ge [sflag:s12], $0xF00  }
0x49: {  	[sflag:s12] =	ssyncset.done $0x0  }
0x4a: {  	[sflag:s12] =	ssyncadd.s32 $0xFFFFF100  }
0x4b: {  	_ =	sfence.sel $0x180000  }
0x4c: {  	[bflag:$0x0] =	sbarrier.arrive $0xFFFF  }
0x4d: {  	p0 =	sne.s32 s0, $0x0;
	_ =	strace $0x9000004A  }
0x4e: {  	s0 =	sadd.s32 @!p0 $0x100000, s1;
	[bflag:$0x2] =	sbarrier.arrive $0xFFFF  }
0x4f: {  	[sflag:s0] =	ssyncadd.tile.s32 @!p0 $0x1;
	_ =	shalt  }
.Lfunc_end2:
_tile_overlayer_lowered:
.L_overlay_start_2:
0x50: {  	(tag) =	ssettag $0x2  }
0x51: {  	s0 =	rddreg [dreg:$0x0];
	s2 =	stileid.u32  }
0x52: {  	s1 =	rddreg [dreg:$0x1];
	p0 =	sne.s32 s2, $0x0  }
0x53: {  	s3 =	rddreg [dreg:$0x2];
	[bflag:$0x3] =	sbarrier.arrive $0xFFFF;
	s2 =	simm.s32 @!p0 $0x1C02  }
0x54: {  	[timem:s3], [sflag:s2] =	dma.local @!p0 [hbm:s0], s1  }
0x55: {  	s0 =	simm.s32 @!p0 $0x2  }
0x56: {  	_ =	swait.ge @!p0 [sflag:s0], s1  }
0x57: {  	s1 =	ssub.s32 @!p0 $0x0, s1;
	[sflag:s0] =	ssyncset.done @!p0 $0x0  }
0x58: {  	[sflag:s0] =	ssyncadd.s32 @!p0 s1  }
0x59: {  	[bflag:$0x3] =	sbarrier.arrive $0xFFFF  }
0x5a: {  	_ =	shalt  }

// kernel: kernel.7.cloned.1.call-start
scs
__scs_entry_jumppad:
0x0: {  	(pc) =	sbr.rel $0x88, $3  }
0x1: {  	(tag) =	ssettag $0x0;
	lr =	simm.s32 $0x1  }
0x2: {  	[smem:$0x3F99] =	sst lr;
	_ =	strace $0xD0000000  }
0x3: {  	_ = 	snop  }
0x4: {  	_ = 	snop  }
0x5: {  	_ = 	snop  }
0x6: {  	_ = 	snop  }
0x7: {  	_ = 	snop  }
__scs_overlays_trampoline_lowered:
0x8: {  	[smem:$0x3FA8] =	sst s0  }
0x9: {  	[smem:$0x3FA9] =	sst s1  }
0xa: {  	[smem:$0x3FAA] =	sst s2  }
0xb: {  	[smem:$0x3FAB] =	sst s3  }
0xc: {  	[smem:$0x3FAC] =	sst s4  }
0xd: {  	[smem:$0x3FAD] =	sst s5  }
0xe: {  	[smem:$0x3FAE] =	sst s6  }
0xf: {  	[smem:$0x3FAF] =	sst s7  }
0x10: {  	[smem:$0x3FB0] =	sst s8  }
0x11: {  	[smem:$0x3FB1] =	sst s9;
	s0 =	simm.s32 @!p0 $0x0  }
0x12: {  	s1 =	sld [smem:$0x3F97];
	s0 =	simm.s32 @p0 $0x1  }
0x13: {  	[smem:$0x3FB2] =	sst s0;
	s0 =	simm.s32 @!p1 $0x0  }
0x14: {  	s2 =	sld [smem:$0x3F96];
	s0 =	simm.s32 @p1 $0x1  }
0x15: {  	[smem:$0x3FB3] =	sst s0;
	s0 =	simm.s32 @!p2 $0x0  }
0x16: {  	s3 =	sld [smem:$0x3FDB];
	s0 =	simm.s32 @p2 $0x1  }
0x17: {  	s4 =	simm.s32 $0x1BF5;
	[smem:$0x3FB5] =	sst s0  }
0x18: {  	s0 =	sld [smem:$0x3F98];
	_ =	swait.ge [sflag:s4], $0x0  }
0x19: {  	s7 =	sld [smem:$0x3F99]  }
0x1a: {  	s8 =	sadd.s32 $0xFFFFE003, lr  }
0x1b: {  	s9 =	sadd.s32 $0xFFFFFEF7, lr;
	s5 =	simm.s32 $0xFFFFFFFF;
	p2 =	slt.u32 s8, $0xFFFFF086  }
0x1c: {  	p1 =	slt.u32 s9, $0xF7A;
	s5 =	simm.s32 @!p2 $0x0  }
0x1d: {  	s5 =	simm.s32 @p1 $0x1;
	p0 =	seq.s32 s7, s2  }
0x1e: {  	s7 =	smul.u32 @!p0 $0xF7A, s2;
	p2 =	seq.s32 @!p0 s5, $0x0  }
0x1f: {  	s9 =	smul.u32 $0xF7A, s1;
	s8 =	simm.s32 @!p0 $0x1BF5;
	p2 =	por !p2, p0  }
0x20: {  	[sflag:s8] =	ssyncset.s32 @!p0 $0xFFFFF086;
	s6 =	sadd.s32 @!p0 s3, s7;
	s7 =	simm.s32 @!p0 $0x108  }
0x21: {  	s3 =	sadd.s32 s3, s9;
	s6 =	sadd.s32 @!p0 $0x88, s6;
	s7 =	simm.s32 @p2 $0x1082  }
0x22: {  	[simem:s7], [sflag:s8] =	dma.local @!p0 [hbm:s6], $0xF7A  }
0x23: {  	s9 =	sor.u32 $0xD0000000, s2;
	s6 =	simm.s32 $0x108;
	_ =	swait.ge @!p0 [sflag:s8], $0x0  }
0x24: {  	s3 =	sadd.s32 $0x88, s3;
	s6 =	simm.s32 @!p1 $0x1082;
	[sflag:s4] =	ssyncset.s32 $0xFFFFF086  }
0x25: {  	[simem:s6], [sflag:s4] =	dma.local [hbm:s3], $0xF7A  }
0x26: {  	[smem:$0x3F99] =	sst s1;
	(tag) =	ssettag s2;
	_ =	strace s9  }
0x27: {  	s1 =	sld [smem:$0x3FA9]  }
0x28: {  	s2 =	sld [smem:$0x3FAA]  }
0x29: {  	s4 =	sld [smem:$0x3FAC]  }
0x2a: {  	p0 =	seq.s32 s5, $0x0;
	s5 =	sld [smem:$0x3FAD]  }
0x2b: {  	s6 =	sld [smem:$0x3FAE]  }
0x2c: {  	s7 =	sld [smem:$0x3FAF]  }
0x2d: {  	s3 =	simm.s32 $0x108;
	s8 =	sld [smem:$0x3FB0]  }
0x2e: {  	s3 =	simm.s32 @!p0 $0x1082;
	s9 =	sld [smem:$0x3FB1]  }
0x2f: {  	lr =	sadd.s32 s0, s3;
	s0 =	sld [smem:$0x3FA8]  }
0x30: {  	s3 =	sld [smem:$0x3FAB]  }
0x31: {  	[smem:$0x3FB4] =	sst s10  }
0x32: {  	s10 =	sld [smem:$0x3FB2];
	_ =	sdelay $0x3  }
0x33: {  	p0 =	seq.s32 s10, $0x1;
	s10 =	sld [smem:$0x3FB4];
	_ =	sdelay $0x3  }
0x34: {  	[smem:$0x3FB4] =	sst s10  }
0x35: {  	s10 =	sld [smem:$0x3FB3];
	_ =	sdelay $0x3  }
0x36: {  	p1 =	seq.s32 s10, $0x1;
	s10 =	sld [smem:$0x3FB4];
	_ =	sdelay $0x3  }
0x37: {  	[smem:$0x3FB4] =	sst s10  }
0x38: {  	s10 =	sld [smem:$0x3FB5]  }
0x39: {  	_ = 	snop;
	(pc) =	sbr.ind lr, $3  }
0x3a: {  	_ = 	snop  }
0x3b: {  	_ = 	snop  }
0x3c: {  	p2 =	seq.s32 s10, $0x1;
	s10 =	sld [smem:$0x3FB4]  }
0x3d: {  	_ =	shalt  }
0x3e: {  	_ =	shalt  }
0x3f: {  	_ =	shalt  }
0x40: {  	_ =	shalt  }
0x41: {  	_ =	shalt  }
0x42: {  	_ =	shalt  }
0x43: {  	_ =	shalt  }
0x44: {  	_ =	shalt  }
0x45: {  	_ =	shalt  }
0x46: {  	_ =	shalt  }
0x47: {  	_ =	shalt  }
0x48: {  	_ =	shalt  }
0x49: {  	_ =	shalt  }
0x4a: {  	_ =	shalt  }
0x4b: {  	_ =	shalt  }
0x4c: {  	_ =	shalt  }
0x4d: {  	_ =	shalt  }
0x4e: {  	_ =	shalt  }
0x4f: {  	_ =	shalt  }
0x50: {  	_ =	shalt  }
0x51: {  	_ =	shalt  }
0x52: {  	_ =	shalt  }
0x53: {  	_ =	shalt  }
0x54: {  	_ =	shalt  }
0x55: {  	_ =	shalt  }
0x56: {  	_ =	shalt  }
0x57: {  	_ =	shalt  }
0x58: {  	_ =	shalt  }
0x59: {  	_ =	shalt  }
0x5a: {  	_ =	shalt  }
0x5b: {  	_ =	shalt  }
0x5c: {  	_ =	shalt  }
0x5d: {  	_ =	shalt  }
0x5e: {  	_ =	shalt  }
0x5f: {  	_ =	shalt  }
0x60: {  	_ =	shalt  }
0x61: {  	_ =	shalt  }
0x62: {  	_ =	shalt  }
0x63: {  	_ =	shalt  }
0x64: {  	_ =	shalt  }
0x65: {  	_ =	shalt  }
0x66: {  	_ =	shalt  }
0x67: {  	_ =	shalt  }
0x68: {  	_ =	shalt  }
0x69: {  	_ =	shalt  }
0x6a: {  	_ =	shalt  }
0x6b: {  	_ =	shalt  }
0x6c: {  	_ =	shalt  }
0x6d: {  	_ =	shalt  }
0x6e: {  	_ =	shalt  }
0x6f: {  	_ =	shalt  }
0x70: {  	_ =	shalt  }
0x71: {  	_ =	shalt  }
0x72: {  	_ =	shalt  }
0x73: {  	_ =	shalt  }
0x74: {  	_ =	shalt  }
0x75: {  	_ =	shalt  }
0x76: {  	_ =	shalt  }
0x77: {  	_ =	shalt  }
0x78: {  	_ =	shalt  }
0x79: {  	_ =	shalt  }
0x7a: {  	_ =	shalt  }
0x7b: {  	_ =	shalt  }
0x7c: {  	_ =	shalt  }
0x7d: {  	_ =	shalt  }
0x7e: {  	_ =	shalt  }
0x7f: {  	_ =	shalt  }
0x80: {  	_ =	shalt  }
0x81: {  	_ =	shalt  }
0x82: {  	_ =	shalt  }
0x83: {  	_ =	shalt  }
0x84: {  	_ =	shalt  }
0x85: {  	_ =	shalt  }
0x86: {  	_ =	shalt  }
0x87: {  	_ =	shalt  }
.Lfunc_end0:
.L_simem_size_0:
called_computation_lowered:
.L_overlay_start_0:
0x88: {  	s2 =	sld [smem:$0x3FD9]  }
0x89: {  	s3 =	sld [smem:$0x3FFE];
	_ =	sdelay $0x1  }
0x8a: {  	s1 =	srdreg.scid  }
0x8b: {  	s0 =	sand.u32 $0x1, s1  }
0x8c: {  	s17 =	sshll.u32 s0, $0xA;
	s2 =	sadd.s32 s3, s2  }
0x8d: {  	s2 =	sadd.s32 s2, s17  }
0x8e: {  	[smem:$0x3FC0] =	sst s2  }
0x8f: {  	_ = 	snop  }
0x90: {  	s2 =	sld [smem:$0x3FD0];
	(tm) =	ssettm $0x1  }
0x91: {  	s18 =	sld [smem:$0x3FFB];
	_ =	sdelay $0x3  }
0x92: {  	_ =	strace s18  }
0x93: {  	s3 =	sld [smem:$0x3FFC];
	_ =	sdelay $0x3  }
0x94: {  	_ =	strace s3  }
0x95: {  	s3 =	sld [smem:$0x3FFD];
	_ =	sdelay $0x3  }
0x96: {  	_ =	strace s3  }
0x97: {  	_ =	strace $0x8FFFFFFF  }
0x98: {  	s19 =	sld [smem:$0x3FDB];
	_ =	sdelay $0x1  }
0x99: {  	s4 =	simm.s32 $_scs_section_size  }
0x9a: {  	s5 =	simm.s32 $_size__tile_overlayer_lowered;
	s6 =	simm.s32 $_tile_overlayer_lowered  }
0x9b: {  	s22 =	simm.s32 $0x1BFF;
	s21 =	sshll.u32 s6, $0x1;
	s3 =	sadd.s32 s4, s19  }
0x9c: {  	s7 =	simm.s32 $0x0;
	s20 =	sshll.u32 s5, $0x1;
	s5 =	sadd.s32 s21, s3  }
0x9d: {  	[timem:s7], [sflag:s22] =	dma.local [hbm:s5], s20  }
0x9e: {  	_ =	swait.ge [sflag:s22], s20  }
0x9f: {  	s4 =	ssub.s32 $0x0, s20;
	[sflag:s22] =	ssyncset.done $0x0  }
0xa0: {  	[sflag:s22] =	ssyncadd.s32 s4;
	_ =	sdelay $0x1  }
0xa1: {  	s23 =	simm.s32 $0x1B8B  }
0xa2: {  	_ =	swait.ge [sflag:s23], $0x1  }
0xa3: {  	[sflag:s23] =	ssyncset.done $0x0  }
0xa4: {  	s25 =	simm.s32 $0x1B8E;
	s24 =	sld [smem:$0x3FFE];
	[sflag:s23] =	ssyncadd.s32 $0xFFFFFFFF  }
0xa5: {  	s26 =	simm.s32 $execute0_lowered;
	[smem:$0x3FD2] =	sst s25  }
0xa6: {  	s5 =	sshll.u32 s26, $0x1;
	_ =	strace $0x80000046;
	[dreg:$0x1] =	wrdreg $0xFFFFFFFF  }
0xa7: {  	s28 =	simm.s32 $_size_execute0_lowered;
	s3 =	sadd.s32 s3, s5;
	[dreg:$0x0] =	wrdreg $0x0  }
0xa8: {  	s5 =	sshll.u32 s28, $0x1;
	[dreg:$0x2] =	wrdreg s3  }
0xa9: {  	[dreg:$0x3] =	wrdreg s5  }
0xaa: {  	[dreg:$0x4] =	wrdreg $0xC0  }
0xab: {  	_ =	task [dreg:s7], $0x5FFFF  }
0xac: {  	[dreg:$0x1] =	wrdreg $0xFFFFFFFF  }
0xad: {  	[dreg:$0x0] =	wrdreg $0x60  }
0xae: {  	[dreg:$0x2] =	wrdreg s24  }
0xaf: {  	[dreg:$0x3] =	wrdreg s2  }
0xb0: {  	[dreg:$0x4] =	wrdreg $0x2DA00  }
0xb1: {  	[dreg:$0x5] =	wrdreg $0x9  }
0xb2: {  	_ =	task.clear_ibuf [dreg:s7], $0x6FFFF;
	_ =	strace $0x90000046  }
0xb3: {  	s29 =	simm.s32 $0x9;
	_ =	strace $0x80000048  }
0xb4: {  	_ =	swait.ge [sflag:s29], $0x1  }
0xb5: {  	[sflag:s29] =	ssyncadd.s32 $0xFFFFFFFF  }
0xb6: {  	_ =	strace $0x90000048  }
0xb7: {  	_ =	sfence  }
0xb8: {  	s30 =	sld [smem:$0x0];
	_ =	sdelay $0x2  }
0xb9: {  	s31 =	sshll.u32 s1, $0xD;
	s1 =	sshrl.u32 s1, $0x2  }
0xba: {  	s3 =	sand.u32 $0x4000, s31;
	s1 =	sadd.s32 s1, s30  }
0xbb: {  	s0 =	sor.u32 s3, s0;
	s1 =	sshll.u32 s1, $0x11  }
0xbc: {  	s0 =	sor.u32 s1, s0  }
0xbd: {  	s0 =	sadd.s32 $0x8F2B, s0  }
0xbe: {  	[sflag:s0] =	ssyncadd.remote.s32 $0x1  }
0xbf: {  	_ =	sfence.sel $0xFFFF  }
0xc0: {  	[dreg:$0x0] =	wrdreg $0xFFFFFFFF;
	(pc) =	sbr.abs _section_cstart, $3  }
0xc1: {  	[dreg:$0x1] =	wrdreg $0xFFFFFFFF  }
0xc2: {  	_ =	task.clear_ibuf [dreg:s7], $0x2FFFF;
	_ =	strace $0x9FFFFFFF  }
0xc3: {  	(tm) =	ssettm $0x7FFFFFFF  }
tec
execute0_lowered:
.L_overlay_start_1:
0x0: {  	(tag) =	ssettag $0x1  }
0x1: {  	s5 =	rddreg [dreg:$0x0]  }
0x2: {  	s0 =	srdreg.scid;
	s9 =	rddreg [dreg:$0x1]  }
0x3: {  	s2 =	rddreg [dreg:$0x2];
	s6 =	sand.u32 $0x1, s0  }
0x4: {  	s0 =	stileid.u32;
	s4 =	smul.u32 $0x27100, s6  }
0x5: {  	s1 =	rddreg [dreg:$0x3];
	s3 =	simm.s32 $0x0;
	s7 =	smul.u32 $0x2710, s0  }
0x6: {  	s15 =	simm.s32 $0x1;
	s16 =	simm.s32 $0x0;
	s8 =	smul.u32 $0x16800, s0  }
0x7: {  	[smem:$0x7FF] =	sst s3;
	s29 =	smul.u32 $0x168000, s6;
	s6 =	ssub.s32 $0x2, s6  }
0x8: {  	_ =	strace $0x80000047;
	s31 =	sshll.u32 s0, $0x6;
	s30 =	sshrl.u32 s6, $0x1  }
0x9: {  	s4 =	sadd.s32 s7, s4;
	s7 =	sadd.s32 s8, s29;
	s12 =	sshrl.u32 s8, $0x3  }
0xa: {  	s13 =	ssub.s32 s6, s30;
	s14 =	sadd.s32 s8, s2;
	s6 =	sor.u32 $0x1C02, s31  }
0xb: {  	s10 =	sshrl.u32 s4, $0x3;
	s4 =	sadd.s32 $0xB400, s5;
	s7 =	sshrl.u32 s7, $0x3  }
0xc: {  	s12 =	sadd.s32 s12, s5;
	s8 =	smax.u32 s13, $0x1;
	s13 =	simm.s32 $0x50  }
0xd: {  	s11 =	sadd.s32 s10, s5;
	s7 =	sadd.s32 s7, s5;
	s5 =	sadd.s32 $0x37400, s12  }
0xe: {  	s9 =	sadd.s32 s10, s9;
	s12 =	simm.s32 $0x2;
	s7 =	sadd.s32 $0x64400, s7  }
0xf: {  	s10 =	sadd.s32 $0x1600, s11;
	s11 =	sshrl.u32 s14, $0x3;
	s14 =	simm.s32 $0xA0  }
.LBB2_1:
0x10: {  	[spmem:s11], [sflag:s6] =	dma.local [hbm:s5], $0x2D00  }
0x11: {  	_ =	swait.ge [sflag:s12], $0x2D00  }
0x12: {  	[sflag:s12] =	ssyncset.done $0x0  }
0x13: {  	[sflag:s12] =	ssyncadd.s32 $0xFFFFD300  }
0x14: {  	s17 =	sadd.s32 $0x0, s10;
	[bflag:$0x0] =	sbarrier.arrive $0xFFFF  }
0x15: {  	[tilespmem:s3], [sflag:$0x2] =	stream.linear.gather [hbm4b:s17+s3], $0x50, $0x38;
	[tilespmem:$0x195A0] =	vst v63  }
0x16: {  	_ =	swait.ge [sflag:s12], $0x50  }
0x17: {  	[sflag:s12] =	ssyncset.done $0x0  }
0x18: {  	s31 =	sadd.s32 $0x0, s9;
	[sflag:s12] =	ssyncadd.s32 $0xFFFFFFB0  }
0x19: {  	[tilespmem:s13], [sflag:$0x2] =	stream.linear.gather [hbm4b:s31+s3], $0x50, $0x38;
	[tilespmem:$0x195A0] =	vst v63  }
0x1a: {  	_ =	swait.ge [sflag:s12], $0x50  }
0x1b: {  	[sflag:s12] =	ssyncset.done $0x0  }
0x1c: {  	[sflag:s12] =	ssyncadd.s32 $0xFFFFFFB0  }
0x1d: {  	[tilespmem:s14], [sflag:$0x1] =	stream.indirect.gather [hbm4b:s4+s13], $0x90, s3, s13, $0xb8;
	[tilespmem:$0x195A0] =	vst v63  }
0x1e: {  	_ =	swait.ge [sflag:s15], $0x2D00  }
0x1f: {  	[sflag:s15] =	ssyncset.done $0x0  }
0x20: {  	[sflag:s15] =	ssyncadd.s32 $0xFFFFD300  }
0x21: {  	[spmem:s2] =	stream.indirect.scatter.add.f32 [tilespmem:s14], [sflag:$0x2], $0x90, s13, s13, $0xb8;
	[tilespmem:$0x195A0] =	vst v63  }
0x22: {  	_ =	swait.ge [sflag:s12], $0x2D00  }
0x23: {  	s18 =	simm.s32 $0x14;
	s17 =	simm.s32 $0xA;
	[sflag:s12] =	ssyncset.done $0x0  }
.LBB2_2:
0x24: {  	s19 =	sadd.s32 s17, s10  }
0x25: {  	[sflag:s12] =	ssyncadd.s32 $0xFFFFD300;
	s20 =	smov.u32 s18;
	s21 =	sadd.s32 $0xA, s18  }
0x26: {  	[tilespmem:s3], [sflag:$0x2] =	stream.linear.gather [hbm4b:s19+s3], $0x50, $0x38;
	[tilespmem:$0x195A0] =	vst v63  }
0x27: {  	p0 =	sne.s32 s18, $0x4D8;
	_ =	swait.ge [sflag:s12], $0x50  }
0x28: {  	[sflag:s12] =	ssyncset.done $0x0  }
0x29: {  	s18 =	sadd.s32 s17, s9;
	s17 =	smov.u32 s20;
	[sflag:s12] =	ssyncadd.s32 $0xFFFFFFB0  }
0x2a: {  	[tilespmem:s13], [sflag:$0x2] =	stream.linear.gather [hbm4b:s18+s3], $0x50, $0x38;
	[tilespmem:$0x195A0] =	vst v63  }
0x2b: {  	_ =	swait.ge [sflag:s12], $0x50  }
0x2c: {  	[sflag:s12] =	ssyncset.done $0x0  }
0x2d: {  	[sflag:s12] =	ssyncadd.s32 $0xFFFFFFB0  }
0x2e: {  	[tilespmem:s14], [sflag:$0x1] =	stream.indirect.gather [hbm4b:s4+s13], $0x90, s3, s13, $0xb8;
	[tilespmem:$0x195A0] =	vst v63  }
0x2f: {  	_ =	swait.ge [sflag:s15], $0x2D00  }
.Ltmp0:
0x30: {  	[sflag:s15] =	ssyncset.done $0x0;
	(pc) =	sbr.rel @p0 .LBB2_2-.Ltmp0, $4  }
0x31: {  	[sflag:s15] =	ssyncadd.s32 $0xFFFFD300  }
0x32: {  	[spmem:s2] =	stream.indirect.scatter.add.f32 [tilespmem:s14], [sflag:$0x2], $0x90, s13, s13, $0xb8;
	[tilespmem:$0x195A0] =	vst v63  }
0x33: {  	_ =	swait.ge [sflag:s12], $0x2D00  }
0x34: {  	s18 =	smov.u32 s21;
	[sflag:s12] =	ssyncset.done $0x0  }
0x35: {  	s18 =	sadd.s32 s17, s10;
	[sflag:s12] =	ssyncadd.s32 $0xFFFFD300  }
0x36: {  	[tilespmem:s3], [sflag:$0x2] =	stream.linear.gather [hbm4b:s18+s3], $0x50, $0x38;
	[tilespmem:$0x195A0] =	vst v63  }
0x37: {  	_ =	swait.ge [sflag:s12], $0x50  }
0x38: {  	[sflag:s12] =	ssyncset.done $0x0  }
0x39: {  	s31 =	sadd.s32 s17, s9;
	[sflag:s12] =	ssyncadd.s32 $0xFFFFFFB0  }
0x3a: {  	[tilespmem:s13], [sflag:$0x2] =	stream.linear.gather [hbm4b:s31+s3], $0x50, $0x38;
	[tilespmem:$0x195A0] =	vst v63  }
0x3b: {  	_ =	swait.ge [sflag:s12], $0x50  }
0x3c: {  	[sflag:s12] =	ssyncset.done $0x0  }
0x3d: {  	[sflag:s12] =	ssyncadd.s32 $0xFFFFFFB0  }
0x3e: {  	[tilespmem:s14], [sflag:$0x1] =	stream.indirect.gather [hbm4b:s4+s13], $0x90, s3, s13, $0xb8;
	[tilespmem:$0x195A0] =	vst v63  }
0x3f: {  	_ =	swait.ge [sflag:s15], $0x2D00  }
0x40: {  	[sflag:s15] =	ssyncset.done $0x0  }
0x41: {  	[sflag:s15] =	ssyncadd.s32 $0xFFFFD300  }
0x42: {  	[spmem:s2] =	stream.indirect.scatter.add.f32 [tilespmem:s14], [sflag:$0x2], $0x90, s13, s13, $0xb8;
	[tilespmem:$0x195A0] =	vst v63  }
0x43: {  	_ =	swait.ge [sflag:s12], $0x2D00  }
0x44: {  	s16 =	sadd.s32 $0x1, s16;
	[sflag:s12] =	ssyncset.done $0x0  }
0x45: {  	p0 =	sne.s32 s16, s8;
	[sflag:s12] =	ssyncadd.s32 $0xFFFFD300  }
.Ltmp1:
0x46: {  	[bflag:$0x0] =	sbarrier.arrive $0xFFFF;
	(pc) =	sbr.rel @p0 .LBB2_1-.Ltmp1, $4  }
0x47: {  	[hbm:s7], [sflag:s6] =	dma.local [spmem:s11], $0x2D00  }
0x48: {  	_ =	swait.ge [sflag:s12], $0x2D00  }
0x49: {  	[sflag:s12] =	ssyncset.done $0x0  }
0x4a: {  	[sflag:s12] =	ssyncadd.s32 $0xFFFFD300  }
0x4b: {  	_ =	sfence.sel $0x180000  }
0x4c: {  	[bflag:$0x0] =	sbarrier.arrive $0xFFFF  }
0x4d: {  	p0 =	sne.s32 s0, $0x0;
	_ =	strace $0x90000047  }
0x4e: {  	s0 =	sadd.s32 @!p0 $0x100000, s1;
	[bflag:$0x2] =	sbarrier.arrive $0xFFFF  }
0x4f: {  	[sflag:s0] =	ssyncadd.tile.s32 @!p0 $0x1;
	_ =	shalt  }
.Lfunc_end2:
_tile_overlayer_lowered:
.L_overlay_start_2:
0x50: {  	(tag) =	ssettag $0x2  }
0x51: {  	s0 =	rddreg [dreg:$0x0];
	s2 =	stileid.u32  }
0x52: {  	s1 =	rddreg [dreg:$0x1];
	p0 =	sne.s32 s2, $0x0  }
0x53: {  	s3 =	rddreg [dreg:$0x2];
	[bflag:$0x3] =	sbarrier.arrive $0xFFFF;
	s2 =	simm.s32 @!p0 $0x1C02  }
0x54: {  	[timem:s3], [sflag:s2] =	dma.local @!p0 [hbm:s0], s1  }
0x55: {  	s0 =	simm.s32 @!p0 $0x2  }
0x56: {  	_ =	swait.ge @!p0 [sflag:s0], s1  }
0x57: {  	s1 =	ssub.s32 @!p0 $0x0, s1;
	[sflag:s0] =	ssyncset.done @!p0 $0x0  }
0x58: {  	[sflag:s0] =	ssyncadd.s32 @!p0 s1  }
0x59: {  	[bflag:$0x3] =	sbarrier.arrive $0xFFFF  }
0x5a: {  	_ =	shalt  }

</sc_bundles>
